<compile_context>
chip_gen: v7x
topology: tpu7x:2x2x1
jax: 0.10.2.dev20260603
libtpu: 0.0.44.dev20260713+nightly
codegen_flags: <defaults>
</compile_context>

<pallas_src>
import functools

import jax
import jax.numpy as jnp
import numpy as np
from jax import lax
from jax.experimental import pallas as pl
from jax.experimental.pallas import tpu as pltpu
from jax.experimental.pallas import tpu_sc as plsc

N = 10000
E = 320000
D = 128
A = 16
AVG_NUM_NEIGHBORS = 32

NC, NS = 2, 16
NW = NC * NS
CHUNK = 128
NCHUNKS = E // CHUNK
BASE = NCHUNKS // NW
REM = NCHUNKS % NW
RPT = 624

_sc_mesh = plsc.VectorSubcoreMesh(core_axis_name="c", subcore_axis_name="s")


NBUF = 3
LOOKAHEAD = 2
ZR = 8


@functools.partial(
    pl.kernel,
    out_type=jax.ShapeDtypeStruct((NC, N, D), jnp.float32),
    mesh=_sc_mesh,
    scratch_types=[
        pltpu.VMEM_SHARED((N, D), jnp.float32),
        [pltpu.VMEM((CHUNK,), jnp.int32) for _ in range(NBUF)],
        [pltpu.VMEM((CHUNK, D), jnp.float32) for _ in range(NBUF)],
        pltpu.VMEM((ZR, D), jnp.float32),
        [pltpu.SemaphoreType.DMA for _ in range(NBUF)],
        [pltpu.SemaphoreType.DMA for _ in range(NBUF)],
    ],
)
def _sc_scatter(msg_hbm, ei_hbm, out_hbm, acc, idxs, msgs, zbuf, lsems, ssems):
    cid = lax.axis_index("c")
    sid = lax.axis_index("s")
    wid = sid * NC + cid

    start = wid * BASE

    def load(k, b):
        e0 = (start + k) * CHUNK
        pltpu.async_copy(ei_hbm.at[1, pl.ds(e0, CHUNK)], idxs[b], lsems[b])
        pltpu.async_copy(msg_hbm.at[pl.ds(e0, CHUNK)], msgs[b], lsems[b])

    def wait_load(b):
        pltpu.make_async_copy(ei_hbm.at[1, pl.ds(0, CHUNK)], idxs[b], lsems[b]).wait()
        pltpu.make_async_copy(msg_hbm.at[pl.ds(0, CHUNK)], msgs[b], lsems[b]).wait()

    def wait_scatter(b):
        pltpu.make_async_copy(msgs[b], acc.at[idxs[b]], ssems[b]).wait()

    for b in range(LOOKAHEAD):
        load(b, b)

    for r in range(ZR):
        for c in range(D // 16):
            zbuf[r, pl.ds(c * 16, 16)] = jnp.zeros((16,), jnp.float32)

    nz = RPT // ZR + (ZR * 2 // ZR) * (sid == NS - 1)

    def zcopy(j, carry):
        pltpu.sync_copy(zbuf, acc.at[pl.ds(sid * RPT + j * ZR, ZR)])
        return carry

    lax.fori_loop(0, nz, zcopy, 0)
    plsc.subcore_barrier()

    def body(i, carry):
        for b in range(NBUF):
            k = NBUF * i + b
            wait_load(b)
            pltpu.async_copy(msgs[b], acc.at[idxs[b]], ssems[b], add=True)
            bn = (b + LOOKAHEAD) % NBUF

            @pl.when(k + LOOKAHEAD < BASE)
            def _():
                @pl.when(k >= 1)
                def _():
                    wait_scatter(bn)

                load(k + LOOKAHEAD, bn)

        return carry

    lax.fori_loop(0, BASE // NBUF, body, 0)

    for b in range(NBUF):
        wait_scatter(b)

    @pl.when(wid < REM)
    def _():
        e0 = (NW * BASE + wid) * CHUNK
        pltpu.sync_copy(ei_hbm.at[1, pl.ds(e0, CHUNK)], idxs[0])
        pltpu.sync_copy(msg_hbm.at[pl.ds(e0, CHUNK)], msgs[0])
        pltpu.sync_copy(msgs[0], acc.at[idxs[0]], add=True)

    plsc.subcore_barrier()

    @pl.when(sid < NS - 1)
    def _():
        pltpu.sync_copy(
            acc.at[pl.ds(sid * RPT, RPT)],
            out_hbm.at[cid, pl.ds(sid * RPT, RPT)],
        )

    @pl.when(sid == NS - 1)
    def _():
        pltpu.sync_copy(
            acc.at[pl.ds((NS - 1) * RPT, N - (NS - 1) * RPT)],
            out_hbm.at[cid, pl.ds((NS - 1) * RPT, N - (NS - 1) * RPT)],
        )


BLK = 400


def _sc_part_body(f_ref, a_ref, ws_ref, o_ref):
    f = f_ref[...]
    a = a_ref[...]
    acc = jnp.zeros((BLK, D), jnp.float32)
    for j in range(A):
        prod = (f * a[:, j][:, None]).astype(jnp.bfloat16)
        acc = acc + jnp.dot(prod, ws_ref[j], preferred_element_type=jnp.float32)
    o_ref[...] = acc


_sc_part_call = pl.pallas_call(
    _sc_part_body,
    grid=(N // BLK,),
    in_specs=[
        pl.BlockSpec((BLK, D), lambda i: (i, 0)),
        pl.BlockSpec((BLK, A), lambda i: (i, 0)),
        pl.BlockSpec((A, D, D), lambda i: (0, 0, 0)),
    ],
    out_specs=pl.BlockSpec((BLK, D), lambda i: (i, 0)),
    out_shape=jax.ShapeDtypeStruct((N, D), jnp.float32),
)


def _combine_body(p_ref, s_ref, wl_ref, o_ref):
    msg = p_ref[0] + p_ref[1]
    o_ref[...] = s_ref[...] + jnp.dot(
        msg, wl_ref[...], preferred_element_type=jnp.float32
    )


CBLK = 2000

_combine_call = pl.pallas_call(
    _combine_body,
    grid=(N // CBLK,),
    in_specs=[
        pl.BlockSpec((NC, CBLK, D), lambda i: (0, i, 0)),
        pl.BlockSpec((CBLK, D), lambda i: (i, 0)),
        pl.BlockSpec((D, D), lambda i: (0, 0)),
    ],
    out_specs=pl.BlockSpec((CBLK, D), lambda i: (i, 0)),
    out_shape=jax.ShapeDtypeStruct((N, D), jnp.float32),
)


@jax.jit
def kernel(node_feats, node_attrs, edge_message, edge_index, W_lin, W_sc):
    partial = _sc_scatter(edge_message, edge_index)
    wl_scaled = W_lin * np.float32(1.0 / np.sqrt(AVG_NUM_NEIGHBORS))
    wsc_t = jnp.transpose(W_sc, (1, 0, 2)).astype(jnp.bfloat16)
    sc_part = _sc_part_call(node_feats, node_attrs, wsc_t)
    return _combine_call(partial, sc_part, wl_scaled)

# --- scband reference (transcript-rebuilt; emitter-appended) ---
"""Pipeline reference for scband-point-conv-update-34291018891265 (READ-ONLY COPY).

The authoritative reference and input builder live on the scoring server;
editing this copy changes nothing except your own understanding.
"""

import jax, jax.numpy as jnp
import numpy as np

N = 10000
E = 320000
D = 128  # node feature / edge message dim (all scalar 0e irreps)
A = 16   # node attrs dim
AVG_NUM_NEIGHBORS = 32


def setup_inputs(seed: int = 0) -> dict:
    key = jax.random.key(seed)
    k0, k1, k2, k3, k4, k5 = jax.random.split(key, 6)
    node_feats = jax.random.normal(k0, (N, D), dtype=jnp.float32)
    node_attrs = jax.random.normal(k1, (N, A), dtype=jnp.float32)
    edge_message = jax.random.normal(k2, (E, D), dtype=jnp.float32)
    edge_index = jax.random.randint(k3, (2, E), 0, N, dtype=jnp.int32)
    # e3nn Linear on scalar irreps == dense linear (no bias), normalized weights
    W_lin = jax.random.normal(k4, (D, D), dtype=jnp.float32) / np.sqrt(D)
    # FullyConnectedTensorProduct on scalar irreps == bilinear form, path-normalized
    W_sc = jax.random.normal(k5, (D, A, D), dtype=jnp.float32) / np.sqrt(D * A)
    return {
        "node_feats": node_feats,
        "node_attrs": node_attrs,
        "edge_message": edge_message,
        "edge_index": edge_index,
        "W_lin": W_lin,
        "W_sc": W_sc,
    }


def reference(node_feats, node_attrs, edge_message, edge_index, W_lin, W_sc):
    edge_dst = edge_index[1]
    # scatter_add of edge messages onto destination nodes
    msg = jnp.zeros((node_feats.shape[0], edge_message.shape[1]), dtype=edge_message.dtype)
    msg = msg.at[edge_dst].add(edge_message)
    # divide by sqrt(avg_num_neighbors)
    msg = msg / jnp.sqrt(jnp.asarray(AVG_NUM_NEIGHBORS, dtype=msg.dtype))
    # linear_2
    msg = msg @ W_lin
    # self connection: FullyConnectedTensorProduct(node_feats, node_attrs)
    sc = jnp.einsum('ni,nj,ijk->nk', node_feats, node_attrs, W_sc)
    node_feats_out = msg + sc
    return node_feats_out

if __name__ == "__main__":
    import jax
    _d = setup_inputs()
    print(jax.jit(kernel)(*tuple(_d.values())))

</pallas_src>

<mosaic_0001>
#map = affine_map<(d0, d1) -> (0, 0)>
#map1 = affine_map<(d0, d1) -> (0, 0, 0)>
module attributes {stable_mosaic.version = 14 : i64} {
  func.func @_sc_scatter(%arg0: i32, %arg1: i32, %arg2: memref<320000x128xf32, #tpu.memory_space<hbm>>, %arg3: memref<2x320000xi32, #tpu.memory_space<hbm>>, %arg4: memref<2x10000x128xf32, #tpu.memory_space<hbm>>, %arg5: memref<10000x128xf32, #tpu.memory_space<vmem_shared>>, %arg6: memref<128xi32, #tpu.memory_space<vmem>>, %arg7: memref<128xi32, #tpu.memory_space<vmem>>, %arg8: memref<128xi32, #tpu.memory_space<vmem>>, %arg9: memref<128x128xf32, #tpu.memory_space<vmem>>, %arg10: memref<128x128xf32, #tpu.memory_space<vmem>>, %arg11: memref<128x128xf32, #tpu.memory_space<vmem>>, %arg12: memref<8x128xf32, #tpu.memory_space<vmem>>, %arg13: memref<!tpu.dma_semaphore, #tpu.memory_space<semaphore_mem>>, %arg14: memref<!tpu.dma_semaphore, #tpu.memory_space<semaphore_mem>>, %arg15: memref<!tpu.dma_semaphore, #tpu.memory_space<semaphore_mem>>, %arg16: memref<!tpu.dma_semaphore, #tpu.memory_space<semaphore_mem>>, %arg17: memref<!tpu.dma_semaphore, #tpu.memory_space<semaphore_mem>>, %arg18: memref<!tpu.dma_semaphore, #tpu.memory_space<semaphore_mem>>) attributes {dimension_semantics = [#tpu.dimension_semantics<core_parallel>, #tpu.dimension_semantics<subcore_parallel>], iteration_bounds = array<i64: 2, 16>, scalar_prefetch = 0 : i64, scratch_operands = 14 : i64, tpu.core_type = #tpu.core_type<sc_vector_subcore>, window_params = [{transform_indices = #map}, {transform_indices = #map}, {transform_indices = #map1}]} {
    %mul3A = arith.constant 2 : i32
    %mul3A_0 = arith.muli %arg1, %mul3A : i32
    %add3A = arith.addi %mul3A_0, %arg0 : i32
    %mul3A_1 = arith.constant 78 : i32
    %mul3A_2 = arith.muli %add3A, %mul3A_1 : i32
    %add3A_3 = arith.constant 0 : i32
    %add3A_4 = arith.addi %mul3A_2, %add3A_3 : i32
    %mul3A_5 = arith.constant 128 : i32
    %mul3A_6 = arith.muli %add3A_4, %mul3A_5 : i32
    %dma_start3A = arith.constant 1 : i32
    %dma_start3A_7 = tpu.memref_slice %arg3[%dma_start3A, %mul3A_6] : memref<2x320000xi32, #tpu.memory_space<hbm>> -> memref<1x128xi32, #tpu.memory_space<hbm>>
    %dma_start3A_8 = tpu.memref_squeeze %dma_start3A_7 : memref<1x128xi32, #tpu.memory_space<hbm>> -> memref<128xi32, #tpu.memory_space<hbm>>
    %dma_start3A_9 = tpu.memref_slice %arg3[%dma_start3A, %mul3A_6] : memref<2x320000xi32, #tpu.memory_space<hbm>> -> memref<1x128xi32, #tpu.memory_space<hbm>>
    %dma_start3A_10 = tpu.memref_squeeze %dma_start3A_9 : memref<1x128xi32, #tpu.memory_space<hbm>> -> memref<128xi32, #tpu.memory_space<hbm>>
    tpu.enqueue_dma source(%dma_start3A_10 : memref<128xi32, #tpu.memory_space<hbm>>) target(%arg6 : memref<128xi32, #tpu.memory_space<vmem>>) target_semaphore(%arg13 : memref<!tpu.dma_semaphore, #tpu.memory_space<semaphore_mem>>)
    %dma_start3A_11 = arith.constant 0 : i32
    %dma_start3A_12 = tpu.memref_slice %arg2[%mul3A_6, %dma_start3A_11] : memref<320000x128xf32, #tpu.memory_space<hbm>> -> memref<128x128xf32, #tpu.memory_space<hbm>>
    %dma_start3A_13 = arith.constant 0 : i32
    %dma_start3A_14 = tpu.memref_slice %arg2[%mul3A_6, %dma_start3A_13] : memref<320000x128xf32, #tpu.memory_space<hbm>> -> memref<128x128xf32, #tpu.memory_space<hbm>>
    tpu.enqueue_dma source(%dma_start3A_14 : memref<128x128xf32, #tpu.memory_space<hbm>>) target(%arg9 : memref<128x128xf32, #tpu.memory_space<vmem>>) target_semaphore(%arg13 : memref<!tpu.dma_semaphore, #tpu.memory_space<semaphore_mem>>)
    %add3A_15 = arith.constant 1 : i32
    %add3A_16 = arith.addi %mul3A_2, %add3A_15 : i32
    %mul3A_17 = arith.constant 128 : i32
    %mul3A_18 = arith.muli %add3A_16, %mul3A_17 : i32
    %dma_start3A_19 = arith.constant 1 : i32
    %dma_start3A_20 = tpu.memref_slice %arg3[%dma_start3A_19, %mul3A_18] : memref<2x320000xi32, #tpu.memory_space<hbm>> -> memref<1x128xi32, #tpu.memory_space<hbm>>
    %dma_start3A_21 = tpu.memref_squeeze %dma_start3A_20 : memref<1x128xi32, #tpu.memory_space<hbm>> -> memref<128xi32, #tpu.memory_space<hbm>>
    %dma_start3A_22 = tpu.memref_slice %arg3[%dma_start3A_19, %mul3A_18] : memref<2x320000xi32, #tpu.memory_space<hbm>> -> memref<1x128xi32, #tpu.memory_space<hbm>>
    %dma_start3A_23 = tpu.memref_squeeze %dma_start3A_22 : memref<1x128xi32, #tpu.memory_space<hbm>> -> memref<128xi32, #tpu.memory_space<hbm>>
    tpu.enqueue_dma source(%dma_start3A_23 : memref<128xi32, #tpu.memory_space<hbm>>) target(%arg7 : memref<128xi32, #tpu.memory_space<vmem>>) target_semaphore(%arg14 : memref<!tpu.dma_semaphore, #tpu.memory_space<semaphore_mem>>)
    %dma_start3A_24 = arith.constant 0 : i32
    %dma_start3A_25 = tpu.memref_slice %arg2[%mul3A_18, %dma_start3A_24] : memref<320000x128xf32, #tpu.memory_space<hbm>> -> memref<128x128xf32, #tpu.memory_space<hbm>>
    %dma_start3A_26 = arith.constant 0 : i32
    %dma_start3A_27 = tpu.memref_slice %arg2[%mul3A_18, %dma_start3A_26] : memref<320000x128xf32, #tpu.memory_space<hbm>> -> memref<128x128xf32, #tpu.memory_space<hbm>>
    tpu.enqueue_dma source(%dma_start3A_27 : memref<128x128xf32, #tpu.memory_space<hbm>>) target(%arg10 : memref<128x128xf32, #tpu.memory_space<vmem>>) target_semaphore(%arg14 : memref<!tpu.dma_semaphore, #tpu.memory_space<semaphore_mem>>)
    %broadcast_in_dim3A = arith.constant 0.000000e+00 : f32
    %broadcast_in_dim3A_28 = vector.broadcast %broadcast_in_dim3A : f32 to vector<16xf32>
    %swap3A = arith.constant 0 : i32
    %swap3A_29 = arith.index_cast %swap3A : i32 to index
    %swap3A_30 = arith.constant 0 : index
    %swap3A_31 = tpu.vector_load %arg12[%swap3A_29, %swap3A_30] {strides = array<i32>} : memref<8x128xf32, #tpu.memory_space<vmem>>, vector<1x16xf32>,
    %swap3A_32 = vector.shape_cast %swap3A_31 : vector<1x16xf32> to vector<16xf32>
    %swap3A_33 = vector.shape_cast %broadcast_in_dim3A_28 : vector<16xf32> to vector<1x16xf32>
    tpu.vector_store %arg12[%swap3A_29, %swap3A_30], %swap3A_33 {strides = array<i32>} : memref<8x128xf32, #tpu.memory_space<vmem>>, vector<1x16xf32>,
    %broadcast_in_dim3A_34 = arith.constant 0.000000e+00 : f32
    %broadcast_in_dim3A_35 = vector.broadcast %broadcast_in_dim3A_34 : f32 to vector<16xf32>
    %swap3A_36 = arith.constant 0 : i32
    %swap3A_37 = arith.index_cast %swap3A_36 : i32 to index
    %swap3A_38 = arith.constant 16 : index
    %swap3A_39 = tpu.vector_load %arg12[%swap3A_37, %swap3A_38] {strides = array<i32>} : memref<8x128xf32, #tpu.memory_space<vmem>>, vector<1x16xf32>,
    %swap3A_40 = vector.shape_cast %swap3A_39 : vector<1x16xf32> to vector<16xf32>
    %swap3A_41 = vector.shape_cast %broadcast_in_dim3A_35 : vector<16xf32> to vector<1x16xf32>
    tpu.vector_store %arg12[%swap3A_37, %swap3A_38], %swap3A_41 {strides = array<i32>} : memref<8x128xf32, #tpu.memory_space<vmem>>, vector<1x16xf32>,
    %broadcast_in_dim3A_42 = arith.constant 0.000000e+00 : f32
    %broadcast_in_dim3A_43 = vector.broadcast %broadcast_in_dim3A_42 : f32 to vector<16xf32>
    %swap3A_44 = arith.constant 0 : i32
    %swap3A_45 = arith.index_cast %swap3A_44 : i32 to index
    %swap3A_46 = arith.constant 32 : index
    %swap3A_47 = tpu.vector_load %arg12[%swap3A_45, %swap3A_46] {strides = array<i32>} : memref<8x128xf32, #tpu.memory_space<vmem>>, vector<1x16xf32>,
    %swap3A_48 = vector.shape_cast %swap3A_47 : vector<1x16xf32> to vector<16xf32>
    %swap3A_49 = vector.shape_cast %broadcast_in_dim3A_43 : vector<16xf32> to vector<1x16xf32>
    tpu.vector_store %arg12[%swap3A_45, %swap3A_46], %swap3A_49 {strides = array<i32>} : memref<8x128xf32, #tpu.memory_space<vmem>>, vector<1x16xf32>,
    %broadcast_in_dim3A_50 = arith.constant 0.000000e+00 : f32
    %broadcast_in_dim3A_51 = vector.broadcast %broadcast_in_dim3A_50 : f32 to vector<16xf32>
    %swap3A_52 = arith.constant 0 : i32
    %swap3A_53 = arith.index_cast %swap3A_52 : i32 to index
    %swap3A_54 = arith.constant 48 : index
    %swap3A_55 = tpu.vector_load %arg12[%swap3A_53, %swap3A_54] {strides = array<i32>} : memref<8x128xf32, #tpu.memory_space<vmem>>, vector<1x16xf32>,
    %swap3A_56 = vector.shape_cast %swap3A_55 : vector<1x16xf32> to vector<16xf32>
    %swap3A_57 = vector.shape_cast %broadcast_in_dim3A_51 : vector<16xf32> to vector<1x16xf32>
    tpu.vector_store %arg12[%swap3A_53, %swap3A_54], %swap3A_57 {strides = array<i32>} : memref<8x128xf32, #tpu.memory_space<vmem>>, vector<1x16xf32>,
    %broadcast_in_dim3A_58 = arith.constant 0.000000e+00 : f32
    %broadcast_in_dim3A_59 = vector.broadcast %broadcast_in_dim3A_58 : f32 to vector<16xf32>
    %swap3A_60 = arith.constant 0 : i32
    %swap3A_61 = arith.index_cast %swap3A_60 : i32 to index
    %swap3A_62 = arith.constant 64 : index
    %swap3A_63 = tpu.vector_load %arg12[%swap3A_61, %swap3A_62] {strides = array<i32>} : memref<8x128xf32, #tpu.memory_space<vmem>>, vector<1x16xf32>,
    %swap3A_64 = vector.shape_cast %swap3A_63 : vector<1x16xf32> to vector<16xf32>
    %swap3A_65 = vector.shape_cast %broadcast_in_dim3A_59 : vector<16xf32> to vector<1x16xf32>
    tpu.vector_store %arg12[%swap3A_61, %swap3A_62], %swap3A_65 {strides = array<i32>} : memref<8x128xf32, #tpu.memory_space<vmem>>, vector<1x16xf32>,
    %broadcast_in_dim3A_66 = arith.constant 0.000000e+00 : f32
    %broadcast_in_dim3A_67 = vector.broadcast %broadcast_in_dim3A_66 : f32 to vector<16xf32>
    %swap3A_68 = arith.constant 0 : i32
    %swap3A_69 = arith.index_cast %swap3A_68 : i32 to index
    %swap3A_70 = arith.constant 80 : index
    %swap3A_71 = tpu.vector_load %arg12[%swap3A_69, %swap3A_70] {strides = array<i32>} : memref<8x128xf32, #tpu.memory_space<vmem>>, vector<1x16xf32>,
    %swap3A_72 = vector.shape_cast %swap3A_71 : vector<1x16xf32> to vector<16xf32>
    %swap3A_73 = vector.shape_cast %broadcast_in_dim3A_67 : vector<16xf32> to vector<1x16xf32>
    tpu.vector_store %arg12[%swap3A_69, %swap3A_70], %swap3A_73 {strides = array<i32>} : memref<8x128xf32, #tpu.memory_space<vmem>>, vector<1x16xf32>,
    %broadcast_in_dim3A_74 = arith.constant 0.000000e+00 : f32
    %broadcast_in_dim3A_75 = vector.broadcast %broadcast_in_dim3A_74 : f32 to vector<16xf32>
    %swap3A_76 = arith.constant 0 : i32
    %swap3A_77 = arith.index_cast %swap3A_76 : i32 to index
    %swap3A_78 = arith.constant 96 : index
    %swap3A_79 = tpu.vector_load %arg12[%swap3A_77, %swap3A_78] {strides = array<i32>} : memref<8x128xf32, #tpu.memory_space<vmem>>, vector<1x16xf32>,
    %swap3A_80 = vector.shape_cast %swap3A_79 : vector<1x16xf32> to vector<16xf32>
    %swap3A_81 = vector.shape_cast %broadcast_in_dim3A_75 : vector<16xf32> to vector<1x16xf32>
    tpu.vector_store %arg12[%swap3A_77, %swap3A_78], %swap3A_81 {strides = array<i32>} : memref<8x128xf32, #tpu.memory_space<vmem>>, vector<1x16xf32>,
    %broadcast_in_dim3A_82 = arith.constant 0.000000e+00 : f32
    %broadcast_in_dim3A_83 = vector.broadcast %broadcast_in_dim3A_82 : f32 to vector<16xf32>
    %swap3A_84 = arith.constant 0 : i32
    %swap3A_85 = arith.index_cast %swap3A_84 : i32 to index
    %swap3A_86 = arith.constant 112 : index
    %swap3A_87 = tpu.vector_load %arg12[%swap3A_85, %swap3A_86] {strides = array<i32>} : memref<8x128xf32, #tpu.memory_space<vmem>>, vector<1x16xf32>,
    %swap3A_88 = vector.shape_cast %swap3A_87 : vector<1x16xf32> to vector<16xf32>
    %swap3A_89 = vector.shape_cast %broadcast_in_dim3A_83 : vector<16xf32> to vector<1x16xf32>
    tpu.vector_store %arg12[%swap3A_85, %swap3A_86], %swap3A_89 {strides = array<i32>} : memref<8x128xf32, #tpu.memory_space<vmem>>, vector<1x16xf32>,
    %broadcast_in_dim3A_90 = arith.constant 0.000000e+00 : f32
    %broadcast_in_dim3A_91 = vector.broadcast %broadcast_in_dim3A_90 : f32 to vector<16xf32>
    %swap3A_92 = arith.constant 1 : i32
    %swap3A_93 = arith.index_cast %swap3A_92 : i32 to index
    %swap3A_94 = arith.constant 0 : index
    %swap3A_95 = tpu.vector_load %arg12[%swap3A_93, %swap3A_94] {strides = array<i32>} : memref<8x128xf32, #tpu.memory_space<vmem>>, vector<1x16xf32>,
    %swap3A_96 = vector.shape_cast %swap3A_95 : vector<1x16xf32> to vector<16xf32>
    %swap3A_97 = vector.shape_cast %broadcast_in_dim3A_91 : vector<16xf32> to vector<1x16xf32>
    tpu.vector_store %arg12[%swap3A_93, %swap3A_94], %swap3A_97 {strides = array<i32>} : memref<8x128xf32, #tpu.memory_space<vmem>>, vector<1x16xf32>,
    %broadcast_in_dim3A_98 = arith.constant 0.000000e+00 : f32
    %broadcast_in_dim3A_99 = vector.broadcast %broadcast_in_dim3A_98 : f32 to vector<16xf32>
    %swap3A_100 = arith.constant 1 : i32
    %swap3A_101 = arith.index_cast %swap3A_100 : i32 to index
    %swap3A_102 = arith.constant 16 : index
    %swap3A_103 = tpu.vector_load %arg12[%swap3A_101, %swap3A_102] {strides = array<i32>} : memref<8x128xf32, #tpu.memory_space<vmem>>, vector<1x16xf32>,
    %swap3A_104 = vector.shape_cast %swap3A_103 : vector<1x16xf32> to vector<16xf32>
    %swap3A_105 = vector.shape_cast %broadcast_in_dim3A_99 : vector<16xf32> to vector<1x16xf32>
    tpu.vector_store %arg12[%swap3A_101, %swap3A_102], %swap3A_105 {strides = array<i32>} : memref<8x128xf32, #tpu.memory_space<vmem>>, vector<1x16xf32>,
    %broadcast_in_dim3A_106 = arith.constant 0.000000e+00 : f32
    %broadcast_in_dim3A_107 = vector.broadcast %broadcast_in_dim3A_106 : f32 to vector<16xf32>
    %swap3A_108 = arith.constant 1 : i32
    %swap3A_109 = arith.index_cast %swap3A_108 : i32 to index
    %swap3A_110 = arith.constant 32 : index
    %swap3A_111 = tpu.vector_load %arg12[%swap3A_109, %swap3A_110] {strides = array<i32>} : memref<8x128xf32, #tpu.memory_space<vmem>>, vector<1x16xf32>,
    %swap3A_112 = vector.shape_cast %swap3A_111 : vector<1x16xf32> to vector<16xf32>
    %swap3A_113 = vector.shape_cast %broadcast_in_dim3A_107 : vector<16xf32> to vector<1x16xf32>
    tpu.vector_store %arg12[%swap3A_109, %swap3A_110], %swap3A_113 {strides = array<i32>} : memref<8x128xf32, #tpu.memory_space<vmem>>, vector<1x16xf32>,
    %broadcast_in_dim3A_114 = arith.constant 0.000000e+00 : f32
    %broadcast_in_dim3A_115 = vector.broadcast %broadcast_in_dim3A_114 : f32 to vector<16xf32>
    %swap3A_116 = arith.constant 1 : i32
    %swap3A_117 = arith.index_cast %swap3A_116 : i32 to index
    %swap3A_118 = arith.constant 48 : index
    %swap3A_119 = tpu.vector_load %arg12[%swap3A_117, %swap3A_118] {strides = array<i32>} : memref<8x128xf32, #tpu.memory_space<vmem>>, vector<1x16xf32>,
    %swap3A_120 = vector.shape_cast %swap3A_119 : vector<1x16xf32> to vector<16xf32>
    %swap3A_121 = vector.shape_cast %broadcast_in_dim3A_115 : vector<16xf32> to vector<1x16xf32>
    tpu.vector_store %arg12[%swap3A_117, %swap3A_118], %swap3A_121 {strides = array<i32>} : memref<8x128xf32, #tpu.memory_space<vmem>>, vector<1x16xf32>,
    %broadcast_in_dim3A_122 = arith.constant 0.000000e+00 : f32
    %broadcast_in_dim3A_123 = vector.broadcast %broadcast_in_dim3A_122 : f32 to vector<16xf32>
    %swap3A_124 = arith.constant 1 : i32
    %swap3A_125 = arith.index_cast %swap3A_124 : i32 to index
    %swap3A_126 = arith.constant 64 : index
    %swap3A_127 = tpu.vector_load %arg12[%swap3A_125, %swap3A_126] {strides = array<i32>} : memref<8x128xf32, #tpu.memory_space<vmem>>, vector<1x16xf32>,
    %swap3A_128 = vector.shape_cast %swap3A_127 : vector<1x16xf32> to vector<16xf32>
    %swap3A_129 = vector.shape_cast %broadcast_in_dim3A_123 : vector<16xf32> to vector<1x16xf32>
    tpu.vector_store %arg12[%swap3A_125, %swap3A_126], %swap3A_129 {strides = array<i32>} : memref<8x128xf32, #tpu.memory_space<vmem>>, vector<1x16xf32>,
    %broadcast_in_dim3A_130 = arith.constant 0.000000e+00 : f32
    %broadcast_in_dim3A_131 = vector.broadcast %broadcast_in_dim3A_130 : f32 to vector<16xf32>
    %swap3A_132 = arith.constant 1 : i32
    %swap3A_133 = arith.index_cast %swap3A_132 : i32 to index
    %swap3A_134 = arith.constant 80 : index
    %swap3A_135 = tpu.vector_load %arg12[%swap3A_133, %swap3A_134] {strides = array<i32>} : memref<8x128xf32, #tpu.memory_space<vmem>>, vector<1x16xf32>,
    %swap3A_136 = vector.shape_cast %swap3A_135 : vector<1x16xf32> to vector<16xf32>
    %swap3A_137 = vector.shape_cast %broadcast_in_dim3A_131 : vector<16xf32> to vector<1x16xf32>
    tpu.vector_store %arg12[%swap3A_133, %swap3A_134], %swap3A_137 {strides = array<i32>} : memref<8x128xf32, #tpu.memory_space<vmem>>, vector<1x16xf32>,
    %broadcast_in_dim3A_138 = arith.constant 0.000000e+00 : f32
    %broadcast_in_dim3A_139 = vector.broadcast %broadcast_in_dim3A_138 : f32 to vector<16xf32>
    %swap3A_140 = arith.constant 1 : i32
    %swap3A_141 = arith.index_cast %swap3A_140 : i32 to index
    %swap3A_142 = arith.constant 96 : index
    %swap3A_143 = tpu.vector_load %arg12[%swap3A_141, %swap3A_142] {strides = array<i32>} : memref<8x128xf32, #tpu.memory_space<vmem>>, vector<1x16xf32>,
    %swap3A_144 = vector.shape_cast %swap3A_143 : vector<1x16xf32> to vector<16xf32>
    %swap3A_145 = vector.shape_cast %broadcast_in_dim3A_139 : vector<16xf32> to vector<1x16xf32>
    tpu.vector_store %arg12[%swap3A_141, %swap3A_142], %swap3A_145 {strides = array<i32>} : memref<8x128xf32, #tpu.memory_space<vmem>>, vector<1x16xf32>,
    %broadcast_in_dim3A_146 = arith.constant 0.000000e+00 : f32
    %broadcast_in_dim3A_147 = vector.broadcast %broadcast_in_dim3A_146 : f32 to vector<16xf32>
    %swap3A_148 = arith.constant 1 : i32
    %swap3A_149 = arith.index_cast %swap3A_148 : i32 to index
    %swap3A_150 = arith.constant 112 : index
    %swap3A_151 = tpu.vector_load %arg12[%swap3A_149, %swap3A_150] {strides = array<i32>} : memref<8x128xf32, #tpu.memory_space<vmem>>, vector<1x16xf32>,
    %swap3A_152 = vector.shape_cast %swap3A_151 : vector<1x16xf32> to vector<16xf32>
    %swap3A_153 = vector.shape_cast %broadcast_in_dim3A_147 : vector<16xf32> to vector<1x16xf32>
    tpu.vector_store %arg12[%swap3A_149, %swap3A_150], %swap3A_153 {strides = array<i32>} : memref<8x128xf32, #tpu.memory_space<vmem>>, vector<1x16xf32>,
    %broadcast_in_dim3A_154 = arith.constant 0.000000e+00 : f32
    %broadcast_in_dim3A_155 = vector.broadcast %broadcast_in_dim3A_154 : f32 to vector<16xf32>
    %swap3A_156 = arith.constant 2 : i32
    %swap3A_157 = arith.index_cast %swap3A_156 : i32 to index
    %swap3A_158 = arith.constant 0 : index
    %swap3A_159 = tpu.vector_load %arg12[%swap3A_157, %swap3A_158] {strides = array<i32>} : memref<8x128xf32, #tpu.memory_space<vmem>>, vector<1x16xf32>,
    %swap3A_160 = vector.shape_cast %swap3A_159 : vector<1x16xf32> to vector<16xf32>
    %swap3A_161 = vector.shape_cast %broadcast_in_dim3A_155 : vector<16xf32> to vector<1x16xf32>
    tpu.vector_store %arg12[%swap3A_157, %swap3A_158], %swap3A_161 {strides = array<i32>} : memref<8x128xf32, #tpu.memory_space<vmem>>, vector<1x16xf32>,
    %broadcast_in_dim3A_162 = arith.constant 0.000000e+00 : f32
    %broadcast_in_dim3A_163 = vector.broadcast %broadcast_in_dim3A_162 : f32 to vector<16xf32>
    %swap3A_164 = arith.constant 2 : i32
    %swap3A_165 = arith.index_cast %swap3A_164 : i32 to index
    %swap3A_166 = arith.constant 16 : index
    %swap3A_167 = tpu.vector_load %arg12[%swap3A_165, %swap3A_166] {strides = array<i32>} : memref<8x128xf32, #tpu.memory_space<vmem>>, vector<1x16xf32>,
    %swap3A_168 = vector.shape_cast %swap3A_167 : vector<1x16xf32> to vector<16xf32>
    %swap3A_169 = vector.shape_cast %broadcast_in_dim3A_163 : vector<16xf32> to vector<1x16xf32>
    tpu.vector_store %arg12[%swap3A_165, %swap3A_166], %swap3A_169 {strides = array<i32>} : memref<8x128xf32, #tpu.memory_space<vmem>>, vector<1x16xf32>,
    %broadcast_in_dim3A_170 = arith.constant 0.000000e+00 : f32
    %broadcast_in_dim3A_171 = vector.broadcast %broadcast_in_dim3A_170 : f32 to vector<16xf32>
    %swap3A_172 = arith.constant 2 : i32
    %swap3A_173 = arith.index_cast %swap3A_172 : i32 to index
    %swap3A_174 = arith.constant 32 : index
    %swap3A_175 = tpu.vector_load %arg12[%swap3A_173, %swap3A_174] {strides = array<i32>} : memref<8x128xf32, #tpu.memory_space<vmem>>, vector<1x16xf32>,
    %swap3A_176 = vector.shape_cast %swap3A_175 : vector<1x16xf32> to vector<16xf32>
    %swap3A_177 = vector.shape_cast %broadcast_in_dim3A_171 : vector<16xf32> to vector<1x16xf32>
    tpu.vector_store %arg12[%swap3A_173, %swap3A_174], %swap3A_177 {strides = array<i32>} : memref<8x128xf32, #tpu.memory_space<vmem>>, vector<1x16xf32>,
    %broadcast_in_dim3A_178 = arith.constant 0.000000e+00 : f32
    %broadcast_in_dim3A_179 = vector.broadcast %broadcast_in_dim3A_178 : f32 to vector<16xf32>
    %swap3A_180 = arith.constant 2 : i32
    %swap3A_181 = arith.index_cast %swap3A_180 : i32 to index
    %swap3A_182 = arith.constant 48 : index
    %swap3A_183 = tpu.vector_load %arg12[%swap3A_181, %swap3A_182] {strides = array<i32>} : memref<8x128xf32, #tpu.memory_space<vmem>>, vector<1x16xf32>,
    %swap3A_184 = vector.shape_cast %swap3A_183 : vector<1x16xf32> to vector<16xf32>
    %swap3A_185 = vector.shape_cast %broadcast_in_dim3A_179 : vector<16xf32> to vector<1x16xf32>
    tpu.vector_store %arg12[%swap3A_181, %swap3A_182], %swap3A_185 {strides = array<i32>} : memref<8x128xf32, #tpu.memory_space<vmem>>, vector<1x16xf32>,
    %broadcast_in_dim3A_186 = arith.constant 0.000000e+00 : f32
    %broadcast_in_dim3A_187 = vector.broadcast %broadcast_in_dim3A_186 : f32 to vector<16xf32>
    %swap3A_188 = arith.constant 2 : i32
    %swap3A_189 = arith.index_cast %swap3A_188 : i32 to index
    %swap3A_190 = arith.constant 64 : index
    %swap3A_191 = tpu.vector_load %arg12[%swap3A_189, %swap3A_190] {strides = array<i32>} : memref<8x128xf32, #tpu.memory_space<vmem>>, vector<1x16xf32>,
    %swap3A_192 = vector.shape_cast %swap3A_191 : vector<1x16xf32> to vector<16xf32>
    %swap3A_193 = vector.shape_cast %broadcast_in_dim3A_187 : vector<16xf32> to vector<1x16xf32>
    tpu.vector_store %arg12[%swap3A_189, %swap3A_190], %swap3A_193 {strides = array<i32>} : memref<8x128xf32, #tpu.memory_space<vmem>>, vector<1x16xf32>,
    %broadcast_in_dim3A_194 = arith.constant 0.000000e+00 : f32
    %broadcast_in_dim3A_195 = vector.broadcast %broadcast_in_dim3A_194 : f32 to vector<16xf32>
    %swap3A_196 = arith.constant 2 : i32
    %swap3A_197 = arith.index_cast %swap3A_196 : i32 to index
    %swap3A_198 = arith.constant 80 : index
    %swap3A_199 = tpu.vector_load %arg12[%swap3A_197, %swap3A_198] {strides = array<i32>} : memref<8x128xf32, #tpu.memory_space<vmem>>, vector<1x16xf32>,
    %swap3A_200 = vector.shape_cast %swap3A_199 : vector<1x16xf32> to vector<16xf32>
    %swap3A_201 = vector.shape_cast %broadcast_in_dim3A_195 : vector<16xf32> to vector<1x16xf32>
    tpu.vector_store %arg12[%swap3A_197, %swap3A_198], %swap3A_201 {strides = array<i32>} : memref<8x128xf32, #tpu.memory_space<vmem>>, vector<1x16xf32>,
    %broadcast_in_dim3A_202 = arith.constant 0.000000e+00 : f32
    %broadcast_in_dim3A_203 = vector.broadcast %broadcast_in_dim3A_202 : f32 to vector<16xf32>
    %swap3A_204 = arith.constant 2 : i32
    %swap3A_205 = arith.index_cast %swap3A_204 : i32 to index
    %swap3A_206 = arith.constant 96 : index
    %swap3A_207 = tpu.vector_load %arg12[%swap3A_205, %swap3A_206] {strides = array<i32>} : memref<8x128xf32, #tpu.memory_space<vmem>>, vector<1x16xf32>,
    %swap3A_208 = vector.shape_cast %swap3A_207 : vector<1x16xf32> to vector<16xf32>
    %swap3A_209 = vector.shape_cast %broadcast_in_dim3A_203 : vector<16xf32> to vector<1x16xf32>
    tpu.vector_store %arg12[%swap3A_205, %swap3A_206], %swap3A_209 {strides = array<i32>} : memref<8x128xf32, #tpu.memory_space<vmem>>, vector<1x16xf32>,
    %broadcast_in_dim3A_210 = arith.constant 0.000000e+00 : f32
    %broadcast_in_dim3A_211 = vector.broadcast %broadcast_in_dim3A_210 : f32 to vector<16xf32>
    %swap3A_212 = arith.constant 2 : i32
    %swap3A_213 = arith.index_cast %swap3A_212 : i32 to index
    %swap3A_214 = arith.constant 112 : index
    %swap3A_215 = tpu.vector_load %arg12[%swap3A_213, %swap3A_214] {strides = array<i32>} : memref<8x128xf32, #tpu.memory_space<vmem>>, vector<1x16xf32>,
    %swap3A_216 = vector.shape_cast %swap3A_215 : vector<1x16xf32> to vector<16xf32>
    %swap3A_217 = vector.shape_cast %broadcast_in_dim3A_211 : vector<16xf32> to vector<1x16xf32>
    tpu.vector_store %arg12[%swap3A_213, %swap3A_214], %swap3A_217 {strides = array<i32>} : memref<8x128xf32, #tpu.memory_space<vmem>>, vector<1x16xf32>,
    %broadcast_in_dim3A_218 = arith.constant 0.000000e+00 : f32
    %broadcast_in_dim3A_219 = vector.broadcast %broadcast_in_dim3A_218 : f32 to vector<16xf32>
    %swap3A_220 = arith.constant 3 : i32
    %swap3A_221 = arith.index_cast %swap3A_220 : i32 to index
    %swap3A_222 = arith.constant 0 : index
    %swap3A_223 = tpu.vector_load %arg12[%swap3A_221, %swap3A_222] {strides = array<i32>} : memref<8x128xf32, #tpu.memory_space<vmem>>, vector<1x16xf32>,
    %swap3A_224 = vector.shape_cast %swap3A_223 : vector<1x16xf32> to vector<16xf32>
    %swap3A_225 = vector.shape_cast %broadcast_in_dim3A_219 : vector<16xf32> to vector<1x16xf32>
    tpu.vector_store %arg12[%swap3A_221, %swap3A_222], %swap3A_225 {strides = array<i32>} : memref<8x128xf32, #tpu.memory_space<vmem>>, vector<1x16xf32>,
    %broadcast_in_dim3A_226 = arith.constant 0.000000e+00 : f32
    %broadcast_in_dim3A_227 = vector.broadcast %broadcast_in_dim3A_226 : f32 to vector<16xf32>
    %swap3A_228 = arith.constant 3 : i32
    %swap3A_229 = arith.index_cast %swap3A_228 : i32 to index
    %swap3A_230 = arith.constant 16 : index
    %swap3A_231 = tpu.vector_load %arg12[%swap3A_229, %swap3A_230] {strides = array<i32>} : memref<8x128xf32, #tpu.memory_space<vmem>>, vector<1x16xf32>,
    %swap3A_232 = vector.shape_cast %swap3A_231 : vector<1x16xf32> to vector<16xf32>
    %swap3A_233 = vector.shape_cast %broadcast_in_dim3A_227 : vector<16xf32> to vector<1x16xf32>
    tpu.vector_store %arg12[%swap3A_229, %swap3A_230], %swap3A_233 {strides = array<i32>} : memref<8x128xf32, #tpu.memory_space<vmem>>, vector<1x16xf32>,
    %broadcast_in_dim3A_234 = arith.constant 0.000000e+00 : f32
    %broadcast_in_dim3A_235 = vector.broadcast %broadcast_in_dim3A_234 : f32 to vector<16xf32>
    %swap3A_236 = arith.constant 3 : i32
    %swap3A_237 = arith.index_cast %swap3A_236 : i32 to index
    %swap3A_238 = arith.constant 32 : index
    %swap3A_239 = tpu.vector_load %arg12[%swap3A_237, %swap3A_238] {strides = array<i32>} : memref<8x128xf32, #tpu.memory_space<vmem>>, vector<1x16xf32>,
    %swap3A_240 = vector.shape_cast %swap3A_239 : vector<1x16xf32> to vector<16xf32>
    %swap3A_241 = vector.shape_cast %broadcast_in_dim3A_235 : vector<16xf32> to vector<1x16xf32>
    tpu.vector_store %arg12[%swap3A_237, %swap3A_238], %swap3A_241 {strides = array<i32>} : memref<8x128xf32, #tpu.memory_space<vmem>>, vector<1x16xf32>,
    %broadcast_in_dim3A_242 = arith.constant 0.000000e+00 : f32
    %broadcast_in_dim3A_243 = vector.broadcast %broadcast_in_dim3A_242 : f32 to vector<16xf32>
    %swap3A_244 = arith.constant 3 : i32
    %swap3A_245 = arith.index_cast %swap3A_244 : i32 to index
    %swap3A_246 = arith.constant 48 : index
    %swap3A_247 = tpu.vector_load %arg12[%swap3A_245, %swap3A_246] {strides = array<i32>} : memref<8x128xf32, #tpu.memory_space<vmem>>, vector<1x16xf32>,
    %swap3A_248 = vector.shape_cast %swap3A_247 : vector<1x16xf32> to vector<16xf32>
    %swap3A_249 = vector.shape_cast %broadcast_in_dim3A_243 : vector<16xf32> to vector<1x16xf32>
    tpu.vector_store %arg12[%swap3A_245, %swap3A_246], %swap3A_249 {strides = array<i32>} : memref<8x128xf32, #tpu.memory_space<vmem>>, vector<1x16xf32>,
    %broadcast_in_dim3A_250 = arith.constant 0.000000e+00 : f32
    %broadcast_in_dim3A_251 = vector.broadcast %broadcast_in_dim3A_250 : f32 to vector<16xf32>
    %swap3A_252 = arith.constant 3 : i32
    %swap3A_253 = arith.index_cast %swap3A_252 : i32 to index
    %swap3A_254 = arith.constant 64 : index
    %swap3A_255 = tpu.vector_load %arg12[%swap3A_253, %swap3A_254] {strides = array<i32>} : memref<8x128xf32, #tpu.memory_space<vmem>>, vector<1x16xf32>,
    %swap3A_256 = vector.shape_cast %swap3A_255 : vector<1x16xf32> to vector<16xf32>
    %swap3A_257 = vector.shape_cast %broadcast_in_dim3A_251 : vector<16xf32> to vector<1x16xf32>
    tpu.vector_store %arg12[%swap3A_253, %swap3A_254], %swap3A_257 {strides = array<i32>} : memref<8x128xf32, #tpu.memory_space<vmem>>, vector<1x16xf32>,
    %broadcast_in_dim3A_258 = arith.constant 0.000000e+00 : f32
    %broadcast_in_dim3A_259 = vector.broadcast %broadcast_in_dim3A_258 : f32 to vector<16xf32>
    %swap3A_260 = arith.constant 3 : i32
    %swap3A_261 = arith.index_cast %swap3A_260 : i32 to index
    %swap3A_262 = arith.constant 80 : index
    %swap3A_263 = tpu.vector_load %arg12[%swap3A_261, %swap3A_262] {strides = array<i32>} : memref<8x128xf32, #tpu.memory_space<vmem>>, vector<1x16xf32>,
    %swap3A_264 = vector.shape_cast %swap3A_263 : vector<1x16xf32> to vector<16xf32>
    %swap3A_265 = vector.shape_cast %broadcast_in_dim3A_259 : vector<16xf32> to vector<1x16xf32>
    tpu.vector_store %arg12[%swap3A_261, %swap3A_262], %swap3A_265 {strides = array<i32>} : memref<8x128xf32, #tpu.memory_space<vmem>>, vector<1x16xf32>,
    %broadcast_in_dim3A_266 = arith.constant 0.000000e+00 : f32
    %broadcast_in_dim3A_267 = vector.broadcast %broadcast_in_dim3A_266 : f32 to vector<16xf32>
    %swap3A_268 = arith.constant 3 : i32
    %swap3A_269 = arith.index_cast %swap3A_268 : i32 to index
    %swap3A_270 = arith.constant 96 : index
    %swap3A_271 = tpu.vector_load %arg12[%swap3A_269, %swap3A_270] {strides = array<i32>} : memref<8x128xf32, #tpu.memory_space<vmem>>, vector<1x16xf32>,
    %swap3A_272 = vector.shape_cast %swap3A_271 : vector<1x16xf32> to vector<16xf32>
    %swap3A_273 = vector.shape_cast %broadcast_in_dim3A_267 : vector<16xf32> to vector<1x16xf32>
    tpu.vector_store %arg12[%swap3A_269, %swap3A_270], %swap3A_273 {strides = array<i32>} : memref<8x128xf32, #tpu.memory_space<vmem>>, vector<1x16xf32>,
    %broadcast_in_dim3A_274 = arith.constant 0.000000e+00 : f32
    %broadcast_in_dim3A_275 = vector.broadcast %broadcast_in_dim3A_274 : f32 to vector<16xf32>
    %swap3A_276 = arith.constant 3 : i32
    %swap3A_277 = arith.index_cast %swap3A_276 : i32 to index
    %swap3A_278 = arith.constant 112 : index
    %swap3A_279 = tpu.vector_load %arg12[%swap3A_277, %swap3A_278] {strides = array<i32>} : memref<8x128xf32, #tpu.memory_space<vmem>>, vector<1x16xf32>,
    %swap3A_280 = vector.shape_cast %swap3A_279 : vector<1x16xf32> to vector<16xf32>
    %swap3A_281 = vector.shape_cast %broadcast_in_dim3A_275 : vector<16xf32> to vector<1x16xf32>
    tpu.vector_store %arg12[%swap3A_277, %swap3A_278], %swap3A_281 {strides = array<i32>} : memref<8x128xf32, #tpu.memory_space<vmem>>, vector<1x16xf32>,
    %broadcast_in_dim3A_282 = arith.constant 0.000000e+00 : f32
    %broadcast_in_dim3A_283 = vector.broadcast %broadcast_in_dim3A_282 : f32 to vector<16xf32>
    %swap3A_284 = arith.constant 4 : i32
    %swap3A_285 = arith.index_cast %swap3A_284 : i32 to index
    %swap3A_286 = arith.constant 0 : index
    %swap3A_287 = tpu.vector_load %arg12[%swap3A_285, %swap3A_286] {strides = array<i32>} : memref<8x128xf32, #tpu.memory_space<vmem>>, vector<1x16xf32>,
    %swap3A_288 = vector.shape_cast %swap3A_287 : vector<1x16xf32> to vector<16xf32>
    %swap3A_289 = vector.shape_cast %broadcast_in_dim3A_283 : vector<16xf32> to vector<1x16xf32>
    tpu.vector_store %arg12[%swap3A_285, %swap3A_286], %swap3A_289 {strides = array<i32>} : memref<8x128xf32, #tpu.memory_space<vmem>>, vector<1x16xf32>,
    %broadcast_in_dim3A_290 = arith.constant 0.000000e+00 : f32
    %broadcast_in_dim3A_291 = vector.broadcast %broadcast_in_dim3A_290 : f32 to vector<16xf32>
    %swap3A_292 = arith.constant 4 : i32
    %swap3A_293 = arith.index_cast %swap3A_292 : i32 to index
    %swap3A_294 = arith.constant 16 : index
    %swap3A_295 = tpu.vector_load %arg12[%swap3A_293, %swap3A_294] {strides = array<i32>} : memref<8x128xf32, #tpu.memory_space<vmem>>, vector<1x16xf32>,
    %swap3A_296 = vector.shape_cast %swap3A_295 : vector<1x16xf32> to vector<16xf32>
    %swap3A_297 = vector.shape_cast %broadcast_in_dim3A_291 : vector<16xf32> to vector<1x16xf32>
    tpu.vector_store %arg12[%swap3A_293, %swap3A_294], %swap3A_297 {strides = array<i32>} : memref<8x128xf32, #tpu.memory_space<vmem>>, vector<1x16xf32>,
    %broadcast_in_dim3A_298 = arith.constant 0.000000e+00 : f32
    %broadcast_in_dim3A_299 = vector.broadcast %broadcast_in_dim3A_298 : f32 to vector<16xf32>
    %swap3A_300 = arith.constant 4 : i32
    %swap3A_301 = arith.index_cast %swap3A_300 : i32 to index
    %swap3A_302 = arith.constant 32 : index
    %swap3A_303 = tpu.vector_load %arg12[%swap3A_301, %swap3A_302] {strides = array<i32>} : memref<8x128xf32, #tpu.memory_space<vmem>>, vector<1x16xf32>,
    %swap3A_304 = vector.shape_cast %swap3A_303 : vector<1x16xf32> to vector<16xf32>
    %swap3A_305 = vector.shape_cast %broadcast_in_dim3A_299 : vector<16xf32> to vector<1x16xf32>
    tpu.vector_store %arg12[%swap3A_301, %swap3A_302], %swap3A_305 {strides = array<i32>} : memref<8x128xf32, #tpu.memory_space<vmem>>, vector<1x16xf32>,
    %broadcast_in_dim3A_306 = arith.constant 0.000000e+00 : f32
    %broadcast_in_dim3A_307 = vector.broadcast %broadcast_in_dim3A_306 : f32 to vector<16xf32>
    %swap3A_308 = arith.constant 4 : i32
    %swap3A_309 = arith.index_cast %swap3A_308 : i32 to index
    %swap3A_310 = arith.constant 48 : index
    %swap3A_311 = tpu.vector_load %arg12[%swap3A_309, %swap3A_310] {strides = array<i32>} : memref<8x128xf32, #tpu.memory_space<vmem>>, vector<1x16xf32>,
    %swap3A_312 = vector.shape_cast %swap3A_311 : vector<1x16xf32> to vector<16xf32>
    %swap3A_313 = vector.shape_cast %broadcast_in_dim3A_307 : vector<16xf32> to vector<1x16xf32>
    tpu.vector_store %arg12[%swap3A_309, %swap3A_310], %swap3A_313 {strides = array<i32>} : memref<8x128xf32, #tpu.memory_space<vmem>>, vector<1x16xf32>,
    %broadcast_in_dim3A_314 = arith.constant 0.000000e+00 : f32
    %broadcast_in_dim3A_315 = vector.broadcast %broadcast_in_dim3A_314 : f32 to vector<16xf32>
    %swap3A_316 = arith.constant 4 : i32
    %swap3A_317 = arith.index_cast %swap3A_316 : i32 to index
    %swap3A_318 = arith.constant 64 : index
    %swap3A_319 = tpu.vector_load %arg12[%swap3A_317, %swap3A_318] {strides = array<i32>} : memref<8x128xf32, #tpu.memory_space<vmem>>, vector<1x16xf32>,
    %swap3A_320 = vector.shape_cast %swap3A_319 : vector<1x16xf32> to vector<16xf32>
    %swap3A_321 = vector.shape_cast %broadcast_in_dim3A_315 : vector<16xf32> to vector<1x16xf32>
    tpu.vector_store %arg12[%swap3A_317, %swap3A_318], %swap3A_321 {strides = array<i32>} : memref<8x128xf32, #tpu.memory_space<vmem>>, vector<1x16xf32>,
    %broadcast_in_dim3A_322 = arith.constant 0.000000e+00 : f32
    %broadcast_in_dim3A_323 = vector.broadcast %broadcast_in_dim3A_322 : f32 to vector<16xf32>
    %swap3A_324 = arith.constant 4 : i32
    %swap3A_325 = arith.index_cast %swap3A_324 : i32 to index
    %swap3A_326 = arith.constant 80 : index
    %swap3A_327 = tpu.vector_load %arg12[%swap3A_325, %swap3A_326] {strides = array<i32>} : memref<8x128xf32, #tpu.memory_space<vmem>>, vector<1x16xf32>,
    %swap3A_328 = vector.shape_cast %swap3A_327 : vector<1x16xf32> to vector<16xf32>
    %swap3A_329 = vector.shape_cast %broadcast_in_dim3A_323 : vector<16xf32> to vector<1x16xf32>
    tpu.vector_store %arg12[%swap3A_325, %swap3A_326], %swap3A_329 {strides = array<i32>} : memref<8x128xf32, #tpu.memory_space<vmem>>, vector<1x16xf32>,
    %broadcast_in_dim3A_330 = arith.constant 0.000000e+00 : f32
    %broadcast_in_dim3A_331 = vector.broadcast %broadcast_in_dim3A_330 : f32 to vector<16xf32>
    %swap3A_332 = arith.constant 4 : i32
    %swap3A_333 = arith.index_cast %swap3A_332 : i32 to index
    %swap3A_334 = arith.constant 96 : index
    %swap3A_335 = tpu.vector_load %arg12[%swap3A_333, %swap3A_334] {strides = array<i32>} : memref<8x128xf32, #tpu.memory_space<vmem>>, vector<1x16xf32>,
    %swap3A_336 = vector.shape_cast %swap3A_335 : vector<1x16xf32> to vector<16xf32>
    %swap3A_337 = vector.shape_cast %broadcast_in_dim3A_331 : vector<16xf32> to vector<1x16xf32>
    tpu.vector_store %arg12[%swap3A_333, %swap3A_334], %swap3A_337 {strides = array<i32>} : memref<8x128xf32, #tpu.memory_space<vmem>>, vector<1x16xf32>,
    %broadcast_in_dim3A_338 = arith.constant 0.000000e+00 : f32
    %broadcast_in_dim3A_339 = vector.broadcast %broadcast_in_dim3A_338 : f32 to vector<16xf32>
    %swap3A_340 = arith.constant 4 : i32
    %swap3A_341 = arith.index_cast %swap3A_340 : i32 to index
    %swap3A_342 = arith.constant 112 : index
    %swap3A_343 = tpu.vector_load %arg12[%swap3A_341, %swap3A_342] {strides = array<i32>} : memref<8x128xf32, #tpu.memory_space<vmem>>, vector<1x16xf32>,
    %swap3A_344 = vector.shape_cast %swap3A_343 : vector<1x16xf32> to vector<16xf32>
    %swap3A_345 = vector.shape_cast %broadcast_in_dim3A_339 : vector<16xf32> to vector<1x16xf32>
    tpu.vector_store %arg12[%swap3A_341, %swap3A_342], %swap3A_345 {strides = array<i32>} : memref<8x128xf32, #tpu.memory_space<vmem>>, vector<1x16xf32>,
    %broadcast_in_dim3A_346 = arith.constant 0.000000e+00 : f32
    %broadcast_in_dim3A_347 = vector.broadcast %broadcast_in_dim3A_346 : f32 to vector<16xf32>
    %swap3A_348 = arith.constant 5 : i32
    %swap3A_349 = arith.index_cast %swap3A_348 : i32 to index
    %swap3A_350 = arith.constant 0 : index
    %swap3A_351 = tpu.vector_load %arg12[%swap3A_349, %swap3A_350] {strides = array<i32>} : memref<8x128xf32, #tpu.memory_space<vmem>>, vector<1x16xf32>,
    %swap3A_352 = vector.shape_cast %swap3A_351 : vector<1x16xf32> to vector<16xf32>
    %swap3A_353 = vector.shape_cast %broadcast_in_dim3A_347 : vector<16xf32> to vector<1x16xf32>
    tpu.vector_store %arg12[%swap3A_349, %swap3A_350], %swap3A_353 {strides = array<i32>} : memref<8x128xf32, #tpu.memory_space<vmem>>, vector<1x16xf32>,
    %broadcast_in_dim3A_354 = arith.constant 0.000000e+00 : f32
    %broadcast_in_dim3A_355 = vector.broadcast %broadcast_in_dim3A_354 : f32 to vector<16xf32>
    %swap3A_356 = arith.constant 5 : i32
    %swap3A_357 = arith.index_cast %swap3A_356 : i32 to index
    %swap3A_358 = arith.constant 16 : index
    %swap3A_359 = tpu.vector_load %arg12[%swap3A_357, %swap3A_358] {strides = array<i32>} : memref<8x128xf32, #tpu.memory_space<vmem>>, vector<1x16xf32>,
    %swap3A_360 = vector.shape_cast %swap3A_359 : vector<1x16xf32> to vector<16xf32>
    %swap3A_361 = vector.shape_cast %broadcast_in_dim3A_355 : vector<16xf32> to vector<1x16xf32>
    tpu.vector_store %arg12[%swap3A_357, %swap3A_358], %swap3A_361 {strides = array<i32>} : memref<8x128xf32, #tpu.memory_space<vmem>>, vector<1x16xf32>,
    %broadcast_in_dim3A_362 = arith.constant 0.000000e+00 : f32
    %broadcast_in_dim3A_363 = vector.broadcast %broadcast_in_dim3A_362 : f32 to vector<16xf32>
    %swap3A_364 = arith.constant 5 : i32
    %swap3A_365 = arith.index_cast %swap3A_364 : i32 to index
    %swap3A_366 = arith.constant 32 : index
    %swap3A_367 = tpu.vector_load %arg12[%swap3A_365, %swap3A_366] {strides = array<i32>} : memref<8x128xf32, #tpu.memory_space<vmem>>, vector<1x16xf32>,
    %swap3A_368 = vector.shape_cast %swap3A_367 : vector<1x16xf32> to vector<16xf32>
    %swap3A_369 = vector.shape_cast %broadcast_in_dim3A_363 : vector<16xf32> to vector<1x16xf32>
    tpu.vector_store %arg12[%swap3A_365, %swap3A_366], %swap3A_369 {strides = array<i32>} : memref<8x128xf32, #tpu.memory_space<vmem>>, vector<1x16xf32>,
    %broadcast_in_dim3A_370 = arith.constant 0.000000e+00 : f32
    %broadcast_in_dim3A_371 = vector.broadcast %broadcast_in_dim3A_370 : f32 to vector<16xf32>
    %swap3A_372 = arith.constant 5 : i32
    %swap3A_373 = arith.index_cast %swap3A_372 : i32 to index
    %swap3A_374 = arith.constant 48 : index
    %swap3A_375 = tpu.vector_load %arg12[%swap3A_373, %swap3A_374] {strides = array<i32>} : memref<8x128xf32, #tpu.memory_space<vmem>>, vector<1x16xf32>,
    %swap3A_376 = vector.shape_cast %swap3A_375 : vector<1x16xf32> to vector<16xf32>
    %swap3A_377 = vector.shape_cast %broadcast_in_dim3A_371 : vector<16xf32> to vector<1x16xf32>
    tpu.vector_store %arg12[%swap3A_373, %swap3A_374], %swap3A_377 {strides = array<i32>} : memref<8x128xf32, #tpu.memory_space<vmem>>, vector<1x16xf32>,
    %broadcast_in_dim3A_378 = arith.constant 0.000000e+00 : f32
    %broadcast_in_dim3A_379 = vector.broadcast %broadcast_in_dim3A_378 : f32 to vector<16xf32>
    %swap3A_380 = arith.constant 5 : i32
    %swap3A_381 = arith.index_cast %swap3A_380 : i32 to index
    %swap3A_382 = arith.constant 64 : index
    %swap3A_383 = tpu.vector_load %arg12[%swap3A_381, %swap3A_382] {strides = array<i32>} : memref<8x128xf32, #tpu.memory_space<vmem>>, vector<1x16xf32>,
    %swap3A_384 = vector.shape_cast %swap3A_383 : vector<1x16xf32> to vector<16xf32>
    %swap3A_385 = vector.shape_cast %broadcast_in_dim3A_379 : vector<16xf32> to vector<1x16xf32>
    tpu.vector_store %arg12[%swap3A_381, %swap3A_382], %swap3A_385 {strides = array<i32>} : memref<8x128xf32, #tpu.memory_space<vmem>>, vector<1x16xf32>,
    %broadcast_in_dim3A_386 = arith.constant 0.000000e+00 : f32
    %broadcast_in_dim3A_387 = vector.broadcast %broadcast_in_dim3A_386 : f32 to vector<16xf32>
    %swap3A_388 = arith.constant 5 : i32
    %swap3A_389 = arith.index_cast %swap3A_388 : i32 to index
    %swap3A_390 = arith.constant 80 : index
    %swap3A_391 = tpu.vector_load %arg12[%swap3A_389, %swap3A_390] {strides = array<i32>} : memref<8x128xf32, #tpu.memory_space<vmem>>, vector<1x16xf32>,
    %swap3A_392 = vector.shape_cast %swap3A_391 : vector<1x16xf32> to vector<16xf32>
    %swap3A_393 = vector.shape_cast %broadcast_in_dim3A_387 : vector<16xf32> to vector<1x16xf32>
    tpu.vector_store %arg12[%swap3A_389, %swap3A_390], %swap3A_393 {strides = array<i32>} : memref<8x128xf32, #tpu.memory_space<vmem>>, vector<1x16xf32>,
    %broadcast_in_dim3A_394 = arith.constant 0.000000e+00 : f32
    %broadcast_in_dim3A_395 = vector.broadcast %broadcast_in_dim3A_394 : f32 to vector<16xf32>
    %swap3A_396 = arith.constant 5 : i32
    %swap3A_397 = arith.index_cast %swap3A_396 : i32 to index
    %swap3A_398 = arith.constant 96 : index
    %swap3A_399 = tpu.vector_load %arg12[%swap3A_397, %swap3A_398] {strides = array<i32>} : memref<8x128xf32, #tpu.memory_space<vmem>>, vector<1x16xf32>,
    %swap3A_400 = vector.shape_cast %swap3A_399 : vector<1x16xf32> to vector<16xf32>
    %swap3A_401 = vector.shape_cast %broadcast_in_dim3A_395 : vector<16xf32> to vector<1x16xf32>
    tpu.vector_store %arg12[%swap3A_397, %swap3A_398], %swap3A_401 {strides = array<i32>} : memref<8x128xf32, #tpu.memory_space<vmem>>, vector<1x16xf32>,
    %broadcast_in_dim3A_402 = arith.constant 0.000000e+00 : f32
    %broadcast_in_dim3A_403 = vector.broadcast %broadcast_in_dim3A_402 : f32 to vector<16xf32>
    %swap3A_404 = arith.constant 5 : i32
    %swap3A_405 = arith.index_cast %swap3A_404 : i32 to index
    %swap3A_406 = arith.constant 112 : index
    %swap3A_407 = tpu.vector_load %arg12[%swap3A_405, %swap3A_406] {strides = array<i32>} : memref<8x128xf32, #tpu.memory_space<vmem>>, vector<1x16xf32>,
    %swap3A_408 = vector.shape_cast %swap3A_407 : vector<1x16xf32> to vector<16xf32>
    %swap3A_409 = vector.shape_cast %broadcast_in_dim3A_403 : vector<16xf32> to vector<1x16xf32>
    tpu.vector_store %arg12[%swap3A_405, %swap3A_406], %swap3A_409 {strides = array<i32>} : memref<8x128xf32, #tpu.memory_space<vmem>>, vector<1x16xf32>,
    %broadcast_in_dim3A_410 = arith.constant 0.000000e+00 : f32
    %broadcast_in_dim3A_411 = vector.broadcast %broadcast_in_dim3A_410 : f32 to vector<16xf32>
    %swap3A_412 = arith.constant 6 : i32
    %swap3A_413 = arith.index_cast %swap3A_412 : i32 to index
    %swap3A_414 = arith.constant 0 : index
    %swap3A_415 = tpu.vector_load %arg12[%swap3A_413, %swap3A_414] {strides = array<i32>} : memref<8x128xf32, #tpu.memory_space<vmem>>, vector<1x16xf32>,
    %swap3A_416 = vector.shape_cast %swap3A_415 : vector<1x16xf32> to vector<16xf32>
    %swap3A_417 = vector.shape_cast %broadcast_in_dim3A_411 : vector<16xf32> to vector<1x16xf32>
    tpu.vector_store %arg12[%swap3A_413, %swap3A_414], %swap3A_417 {strides = array<i32>} : memref<8x128xf32, #tpu.memory_space<vmem>>, vector<1x16xf32>,
    %broadcast_in_dim3A_418 = arith.constant 0.000000e+00 : f32
    %broadcast_in_dim3A_419 = vector.broadcast %broadcast_in_dim3A_418 : f32 to vector<16xf32>
    %swap3A_420 = arith.constant 6 : i32
    %swap3A_421 = arith.index_cast %swap3A_420 : i32 to index
    %swap3A_422 = arith.constant 16 : index
    %swap3A_423 = tpu.vector_load %arg12[%swap3A_421, %swap3A_422] {strides = array<i32>} : memref<8x128xf32, #tpu.memory_space<vmem>>, vector<1x16xf32>,
    %swap3A_424 = vector.shape_cast %swap3A_423 : vector<1x16xf32> to vector<16xf32>
    %swap3A_425 = vector.shape_cast %broadcast_in_dim3A_419 : vector<16xf32> to vector<1x16xf32>
    tpu.vector_store %arg12[%swap3A_421, %swap3A_422], %swap3A_425 {strides = array<i32>} : memref<8x128xf32, #tpu.memory_space<vmem>>, vector<1x16xf32>,
    %broadcast_in_dim3A_426 = arith.constant 0.000000e+00 : f32
    %broadcast_in_dim3A_427 = vector.broadcast %broadcast_in_dim3A_426 : f32 to vector<16xf32>
    %swap3A_428 = arith.constant 6 : i32
    %swap3A_429 = arith.index_cast %swap3A_428 : i32 to index
    %swap3A_430 = arith.constant 32 : index
    %swap3A_431 = tpu.vector_load %arg12[%swap3A_429, %swap3A_430] {strides = array<i32>} : memref<8x128xf32, #tpu.memory_space<vmem>>, vector<1x16xf32>,
    %swap3A_432 = vector.shape_cast %swap3A_431 : vector<1x16xf32> to vector<16xf32>
    %swap3A_433 = vector.shape_cast %broadcast_in_dim3A_427 : vector<16xf32> to vector<1x16xf32>
    tpu.vector_store %arg12[%swap3A_429, %swap3A_430], %swap3A_433 {strides = array<i32>} : memref<8x128xf32, #tpu.memory_space<vmem>>, vector<1x16xf32>,
    %broadcast_in_dim3A_434 = arith.constant 0.000000e+00 : f32
    %broadcast_in_dim3A_435 = vector.broadcast %broadcast_in_dim3A_434 : f32 to vector<16xf32>
    %swap3A_436 = arith.constant 6 : i32
    %swap3A_437 = arith.index_cast %swap3A_436 : i32 to index
    %swap3A_438 = arith.constant 48 : index
    %swap3A_439 = tpu.vector_load %arg12[%swap3A_437, %swap3A_438] {strides = array<i32>} : memref<8x128xf32, #tpu.memory_space<vmem>>, vector<1x16xf32>,
    %swap3A_440 = vector.shape_cast %swap3A_439 : vector<1x16xf32> to vector<16xf32>
    %swap3A_441 = vector.shape_cast %broadcast_in_dim3A_435 : vector<16xf32> to vector<1x16xf32>
    tpu.vector_store %arg12[%swap3A_437, %swap3A_438], %swap3A_441 {strides = array<i32>} : memref<8x128xf32, #tpu.memory_space<vmem>>, vector<1x16xf32>,
    %broadcast_in_dim3A_442 = arith.constant 0.000000e+00 : f32
    %broadcast_in_dim3A_443 = vector.broadcast %broadcast_in_dim3A_442 : f32 to vector<16xf32>
    %swap3A_444 = arith.constant 6 : i32
    %swap3A_445 = arith.index_cast %swap3A_444 : i32 to index
    %swap3A_446 = arith.constant 64 : index
    %swap3A_447 = tpu.vector_load %arg12[%swap3A_445, %swap3A_446] {strides = array<i32>} : memref<8x128xf32, #tpu.memory_space<vmem>>, vector<1x16xf32>,
    %swap3A_448 = vector.shape_cast %swap3A_447 : vector<1x16xf32> to vector<16xf32>
    %swap3A_449 = vector.shape_cast %broadcast_in_dim3A_443 : vector<16xf32> to vector<1x16xf32>
    tpu.vector_store %arg12[%swap3A_445, %swap3A_446], %swap3A_449 {strides = array<i32>} : memref<8x128xf32, #tpu.memory_space<vmem>>, vector<1x16xf32>,
    %broadcast_in_dim3A_450 = arith.constant 0.000000e+00 : f32
    %broadcast_in_dim3A_451 = vector.broadcast %broadcast_in_dim3A_450 : f32 to vector<16xf32>
    %swap3A_452 = arith.constant 6 : i32
    %swap3A_453 = arith.index_cast %swap3A_452 : i32 to index
    %swap3A_454 = arith.constant 80 : index
    %swap3A_455 = tpu.vector_load %arg12[%swap3A_453, %swap3A_454] {strides = array<i32>} : memref<8x128xf32, #tpu.memory_space<vmem>>, vector<1x16xf32>,
    %swap3A_456 = vector.shape_cast %swap3A_455 : vector<1x16xf32> to vector<16xf32>
    %swap3A_457 = vector.shape_cast %broadcast_in_dim3A_451 : vector<16xf32> to vector<1x16xf32>
    tpu.vector_store %arg12[%swap3A_453, %swap3A_454], %swap3A_457 {strides = array<i32>} : memref<8x128xf32, #tpu.memory_space<vmem>>, vector<1x16xf32>,
    %broadcast_in_dim3A_458 = arith.constant 0.000000e+00 : f32
    %broadcast_in_dim3A_459 = vector.broadcast %broadcast_in_dim3A_458 : f32 to vector<16xf32>
    %swap3A_460 = arith.constant 6 : i32
    %swap3A_461 = arith.index_cast %swap3A_460 : i32 to index
    %swap3A_462 = arith.constant 96 : index
    %swap3A_463 = tpu.vector_load %arg12[%swap3A_461, %swap3A_462] {strides = array<i32>} : memref<8x128xf32, #tpu.memory_space<vmem>>, vector<1x16xf32>,
    %swap3A_464 = vector.shape_cast %swap3A_463 : vector<1x16xf32> to vector<16xf32>
    %swap3A_465 = vector.shape_cast %broadcast_in_dim3A_459 : vector<16xf32> to vector<1x16xf32>
    tpu.vector_store %arg12[%swap3A_461, %swap3A_462], %swap3A_465 {strides = array<i32>} : memref<8x128xf32, #tpu.memory_space<vmem>>, vector<1x16xf32>,
    %broadcast_in_dim3A_466 = arith.constant 0.000000e+00 : f32
    %broadcast_in_dim3A_467 = vector.broadcast %broadcast_in_dim3A_466 : f32 to vector<16xf32>
    %swap3A_468 = arith.constant 6 : i32
    %swap3A_469 = arith.index_cast %swap3A_468 : i32 to index
    %swap3A_470 = arith.constant 112 : index
    %swap3A_471 = tpu.vector_load %arg12[%swap3A_469, %swap3A_470] {strides = array<i32>} : memref<8x128xf32, #tpu.memory_space<vmem>>, vector<1x16xf32>,
    %swap3A_472 = vector.shape_cast %swap3A_471 : vector<1x16xf32> to vector<16xf32>
    %swap3A_473 = vector.shape_cast %broadcast_in_dim3A_467 : vector<16xf32> to vector<1x16xf32>
    tpu.vector_store %arg12[%swap3A_469, %swap3A_470], %swap3A_473 {strides = array<i32>} : memref<8x128xf32, #tpu.memory_space<vmem>>, vector<1x16xf32>,
    %broadcast_in_dim3A_474 = arith.constant 0.000000e+00 : f32
    %broadcast_in_dim3A_475 = vector.broadcast %broadcast_in_dim3A_474 : f32 to vector<16xf32>
    %swap3A_476 = arith.constant 7 : i32
    %swap3A_477 = arith.index_cast %swap3A_476 : i32 to index
    %swap3A_478 = arith.constant 0 : index
    %swap3A_479 = tpu.vector_load %arg12[%swap3A_477, %swap3A_478] {strides = array<i32>} : memref<8x128xf32, #tpu.memory_space<vmem>>, vector<1x16xf32>,
    %swap3A_480 = vector.shape_cast %swap3A_479 : vector<1x16xf32> to vector<16xf32>
    %swap3A_481 = vector.shape_cast %broadcast_in_dim3A_475 : vector<16xf32> to vector<1x16xf32>
    tpu.vector_store %arg12[%swap3A_477, %swap3A_478], %swap3A_481 {strides = array<i32>} : memref<8x128xf32, #tpu.memory_space<vmem>>, vector<1x16xf32>,
    %broadcast_in_dim3A_482 = arith.constant 0.000000e+00 : f32
    %broadcast_in_dim3A_483 = vector.broadcast %broadcast_in_dim3A_482 : f32 to vector<16xf32>
    %swap3A_484 = arith.constant 7 : i32
    %swap3A_485 = arith.index_cast %swap3A_484 : i32 to index
    %swap3A_486 = arith.constant 16 : index
    %swap3A_487 = tpu.vector_load %arg12[%swap3A_485, %swap3A_486] {strides = array<i32>} : memref<8x128xf32, #tpu.memory_space<vmem>>, vector<1x16xf32>,
    %swap3A_488 = vector.shape_cast %swap3A_487 : vector<1x16xf32> to vector<16xf32>
    %swap3A_489 = vector.shape_cast %broadcast_in_dim3A_483 : vector<16xf32> to vector<1x16xf32>
    tpu.vector_store %arg12[%swap3A_485, %swap3A_486], %swap3A_489 {strides = array<i32>} : memref<8x128xf32, #tpu.memory_space<vmem>>, vector<1x16xf32>,
    %broadcast_in_dim3A_490 = arith.constant 0.000000e+00 : f32
    %broadcast_in_dim3A_491 = vector.broadcast %broadcast_in_dim3A_490 : f32 to vector<16xf32>
    %swap3A_492 = arith.constant 7 : i32
    %swap3A_493 = arith.index_cast %swap3A_492 : i32 to index
    %swap3A_494 = arith.constant 32 : index
    %swap3A_495 = tpu.vector_load %arg12[%swap3A_493, %swap3A_494] {strides = array<i32>} : memref<8x128xf32, #tpu.memory_space<vmem>>, vector<1x16xf32>,
    %swap3A_496 = vector.shape_cast %swap3A_495 : vector<1x16xf32> to vector<16xf32>
    %swap3A_497 = vector.shape_cast %broadcast_in_dim3A_491 : vector<16xf32> to vector<1x16xf32>
    tpu.vector_store %arg12[%swap3A_493, %swap3A_494], %swap3A_497 {strides = array<i32>} : memref<8x128xf32, #tpu.memory_space<vmem>>, vector<1x16xf32>,
    %broadcast_in_dim3A_498 = arith.constant 0.000000e+00 : f32
    %broadcast_in_dim3A_499 = vector.broadcast %broadcast_in_dim3A_498 : f32 to vector<16xf32>
    %swap3A_500 = arith.constant 7 : i32
    %swap3A_501 = arith.index_cast %swap3A_500 : i32 to index
    %swap3A_502 = arith.constant 48 : index
    %swap3A_503 = tpu.vector_load %arg12[%swap3A_501, %swap3A_502] {strides = array<i32>} : memref<8x128xf32, #tpu.memory_space<vmem>>, vector<1x16xf32>,
    %swap3A_504 = vector.shape_cast %swap3A_503 : vector<1x16xf32> to vector<16xf32>
    %swap3A_505 = vector.shape_cast %broadcast_in_dim3A_499 : vector<16xf32> to vector<1x16xf32>
    tpu.vector_store %arg12[%swap3A_501, %swap3A_502], %swap3A_505 {strides = array<i32>} : memref<8x128xf32, #tpu.memory_space<vmem>>, vector<1x16xf32>,
    %broadcast_in_dim3A_506 = arith.constant 0.000000e+00 : f32
    %broadcast_in_dim3A_507 = vector.broadcast %broadcast_in_dim3A_506 : f32 to vector<16xf32>
    %swap3A_508 = arith.constant 7 : i32
    %swap3A_509 = arith.index_cast %swap3A_508 : i32 to index
    %swap3A_510 = arith.constant 64 : index
    %swap3A_511 = tpu.vector_load %arg12[%swap3A_509, %swap3A_510] {strides = array<i32>} : memref<8x128xf32, #tpu.memory_space<vmem>>, vector<1x16xf32>,
    %swap3A_512 = vector.shape_cast %swap3A_511 : vector<1x16xf32> to vector<16xf32>
    %swap3A_513 = vector.shape_cast %broadcast_in_dim3A_507 : vector<16xf32> to vector<1x16xf32>
    tpu.vector_store %arg12[%swap3A_509, %swap3A_510], %swap3A_513 {strides = array<i32>} : memref<8x128xf32, #tpu.memory_space<vmem>>, vector<1x16xf32>,
    %broadcast_in_dim3A_514 = arith.constant 0.000000e+00 : f32
    %broadcast_in_dim3A_515 = vector.broadcast %broadcast_in_dim3A_514 : f32 to vector<16xf32>
    %swap3A_516 = arith.constant 7 : i32
    %swap3A_517 = arith.index_cast %swap3A_516 : i32 to index
    %swap3A_518 = arith.constant 80 : index
    %swap3A_519 = tpu.vector_load %arg12[%swap3A_517, %swap3A_518] {strides = array<i32>} : memref<8x128xf32, #tpu.memory_space<vmem>>, vector<1x16xf32>,
    %swap3A_520 = vector.shape_cast %swap3A_519 : vector<1x16xf32> to vector<16xf32>
    %swap3A_521 = vector.shape_cast %broadcast_in_dim3A_515 : vector<16xf32> to vector<1x16xf32>
    tpu.vector_store %arg12[%swap3A_517, %swap3A_518], %swap3A_521 {strides = array<i32>} : memref<8x128xf32, #tpu.memory_space<vmem>>, vector<1x16xf32>,
    %broadcast_in_dim3A_522 = arith.constant 0.000000e+00 : f32
    %broadcast_in_dim3A_523 = vector.broadcast %broadcast_in_dim3A_522 : f32 to vector<16xf32>
    %swap3A_524 = arith.constant 7 : i32
    %swap3A_525 = arith.index_cast %swap3A_524 : i32 to index
    %swap3A_526 = arith.constant 96 : index
    %swap3A_527 = tpu.vector_load %arg12[%swap3A_525, %swap3A_526] {strides = array<i32>} : memref<8x128xf32, #tpu.memory_space<vmem>>, vector<1x16xf32>,
    %swap3A_528 = vector.shape_cast %swap3A_527 : vector<1x16xf32> to vector<16xf32>
    %swap3A_529 = vector.shape_cast %broadcast_in_dim3A_523 : vector<16xf32> to vector<1x16xf32>
    tpu.vector_store %arg12[%swap3A_525, %swap3A_526], %swap3A_529 {strides = array<i32>} : memref<8x128xf32, #tpu.memory_space<vmem>>, vector<1x16xf32>,
    %broadcast_in_dim3A_530 = arith.constant 0.000000e+00 : f32
    %broadcast_in_dim3A_531 = vector.broadcast %broadcast_in_dim3A_530 : f32 to vector<16xf32>
    %swap3A_532 = arith.constant 7 : i32
    %swap3A_533 = arith.index_cast %swap3A_532 : i32 to index
    %swap3A_534 = arith.constant 112 : index
    %swap3A_535 = tpu.vector_load %arg12[%swap3A_533, %swap3A_534] {strides = array<i32>} : memref<8x128xf32, #tpu.memory_space<vmem>>, vector<1x16xf32>,
    %swap3A_536 = vector.shape_cast %swap3A_535 : vector<1x16xf32> to vector<16xf32>
    %swap3A_537 = vector.shape_cast %broadcast_in_dim3A_531 : vector<16xf32> to vector<1x16xf32>
    tpu.vector_store %arg12[%swap3A_533, %swap3A_534], %swap3A_537 {strides = array<i32>} : memref<8x128xf32, #tpu.memory_space<vmem>>, vector<1x16xf32>,
    %eq3A = arith.constant 15 : i32
    %eq3A_538 = arith.cmpi eq, %arg1, %eq3A : i32
    %convert_element_type3A = arith.extui %eq3A_538 : i1 to i32
    %mul3A_539 = arith.constant 2 : i32
    %mul3A_540 = arith.muli %mul3A_539, %convert_element_type3A : i32
    %add3A_541 = arith.constant 78 : i32
    %add3A_542 = arith.addi %add3A_541, %mul3A_540 : i32
    %while3A = arith.constant 0 : i32
    %while3A_543 = arith.constant 0 : i32
    %while3A_544 = arith.subi %add3A_542, %while3A_543 : i32
    %while3A_545 = arith.addi %while3A_543, %while3A_544 : i32
    %while3A_546 = arith.constant 1 : i32
    %while3A_547 = arith.divsi %while3A_544, %while3A_546 : i32
    %while3A_548 = arith.muli %while3A_547, %while3A_546 : i32
    %while3A_549 = arith.addi %while3A_543, %while3A_548 : i32
    %while3A_550 = arith.constant 1 : i32
    scf.for %while3A_579 = %while3A_543 to %while3A_549 step %while3A_550  : i32 {
      %mul3A_580 = arith.constant 624 : i32
      %mul3A_581 = arith.muli %arg1, %mul3A_580 : i32
      %mul3A_582 = arith.constant 8 : i32
      %mul3A_583 = arith.muli %while3A_579, %mul3A_582 : i32
      %add3A_584 = arith.addi %mul3A_581, %mul3A_583 : i32
      "tpu.region"() ({
        %run_scoped3A = tpu.sem_alloc : memref<!tpu.dma_semaphore, #tpu.memory_space<semaphore_mem>>
        %dma_start3A_585 = arith.constant 0 : i32
        %dma_start3A_586 = tpu.memref_slice %arg5[%add3A_584, %dma_start3A_585] : memref<10000x128xf32, #tpu.memory_space<vmem_shared>> -> memref<8x128xf32, #tpu.memory_space<vmem_shared>>
        %dma_start3A_587 = arith.constant 0 : i32
        %dma_start3A_588 = tpu.memref_slice %arg5[%add3A_584, %dma_start3A_587] : memref<10000x128xf32, #tpu.memory_space<vmem_shared>> -> memref<8x128xf32, #tpu.memory_space<vmem_shared>>
        tpu.enqueue_dma source(%arg12 : memref<8x128xf32, #tpu.memory_space<vmem>>) target(%dma_start3A_588 : memref<8x128xf32, #tpu.memory_space<vmem_shared>>) target_semaphore(%run_scoped3A : memref<!tpu.dma_semaphore, #tpu.memory_space<semaphore_mem>>)
        %dma_wait3A_589 = arith.constant 0 : i32
        %dma_wait3A_590 = tpu.memref_slice %arg5[%add3A_584, %dma_wait3A_589] : memref<10000x128xf32, #tpu.memory_space<vmem_shared>> -> memref<8x128xf32, #tpu.memory_space<vmem_shared>>
        %dma_wait3A_591 = arith.constant 0 : i32
        %dma_wait3A_592 = tpu.memref_slice %arg5[%add3A_584, %dma_wait3A_591] : memref<10000x128xf32, #tpu.memory_space<vmem_shared>> -> memref<8x128xf32, #tpu.memory_space<vmem_shared>>
        tpu.wait_dma2 semaphore(%run_scoped3A : memref<!tpu.dma_semaphore, #tpu.memory_space<semaphore_mem>>) src(%arg12 : memref<8x128xf32, #tpu.memory_space<vmem>>) dst(%dma_wait3A_592 : memref<8x128xf32, #tpu.memory_space<vmem_shared>>)
        tpu.yield
      }) : () -> ()
    }
    %while3A_551 = arith.constant 1 : i32
    scf.for %while3A_579 = %while3A_549 to %while3A_545 step %while3A_551  : i32 {
      %mul3A_580 = arith.constant 624 : i32
      %mul3A_581 = arith.muli %arg1, %mul3A_580 : i32
      %mul3A_582 = arith.constant 8 : i32
      %mul3A_583 = arith.muli %while3A_579, %mul3A_582 : i32
      %add3A_584 = arith.addi %mul3A_581, %mul3A_583 : i32
      "tpu.region"() ({
        %run_scoped3A = tpu.sem_alloc : memref<!tpu.dma_semaphore, #tpu.memory_space<semaphore_mem>>
        %dma_start3A_585 = arith.constant 0 : i32
        %dma_start3A_586 = tpu.memref_slice %arg5[%add3A_584, %dma_start3A_585] : memref<10000x128xf32, #tpu.memory_space<vmem_shared>> -> memref<8x128xf32, #tpu.memory_space<vmem_shared>>
        %dma_start3A_587 = arith.constant 0 : i32
        %dma_start3A_588 = tpu.memref_slice %arg5[%add3A_584, %dma_start3A_587] : memref<10000x128xf32, #tpu.memory_space<vmem_shared>> -> memref<8x128xf32, #tpu.memory_space<vmem_shared>>
        tpu.enqueue_dma source(%arg12 : memref<8x128xf32, #tpu.memory_space<vmem>>) target(%dma_start3A_588 : memref<8x128xf32, #tpu.memory_space<vmem_shared>>) target_semaphore(%run_scoped3A : memref<!tpu.dma_semaphore, #tpu.memory_space<semaphore_mem>>)
        %dma_wait3A_589 = arith.constant 0 : i32
        %dma_wait3A_590 = tpu.memref_slice %arg5[%add3A_584, %dma_wait3A_589] : memref<10000x128xf32, #tpu.memory_space<vmem_shared>> -> memref<8x128xf32, #tpu.memory_space<vmem_shared>>
        %dma_wait3A_591 = arith.constant 0 : i32
        %dma_wait3A_592 = tpu.memref_slice %arg5[%add3A_584, %dma_wait3A_591] : memref<10000x128xf32, #tpu.memory_space<vmem_shared>> -> memref<8x128xf32, #tpu.memory_space<vmem_shared>>
        tpu.wait_dma2 semaphore(%run_scoped3A : memref<!tpu.dma_semaphore, #tpu.memory_space<semaphore_mem>>) src(%arg12 : memref<8x128xf32, #tpu.memory_space<vmem>>) dst(%dma_wait3A_592 : memref<8x128xf32, #tpu.memory_space<vmem_shared>>)
        tpu.yield
      }) : () -> ()
    }
    %barrier3A = arith.constant 0 : index
    tpu.barrier barrier_id(%barrier3A)
    %scan3A = arith.constant 0 : i32
    %scan3A_552 = arith.constant 0 : i32
    %scan3A_553 = arith.constant 26 : i32
    %scan3A_554 = arith.addi %scan3A_552, %scan3A_553 : i32
    %scan3A_555 = arith.constant 1 : i32
    scf.for %scan3A_579 = %scan3A_552 to %scan3A_554 step %scan3A_555  : i32 {
      %mul3A_580 = arith.constant 3 : i32
      %mul3A_581 = arith.muli %mul3A_580, %scan3A_579 : i32
      %add3A_582 = arith.constant 0 : i32
      %add3A_583 = arith.addi %mul3A_581, %add3A_582 : i32
      %dma_wait3A_584 = arith.constant 1 : i32
      %dma_wait3A_585 = arith.constant 0 : i32
      %dma_wait3A_586 = tpu.memref_slice %arg3[%dma_wait3A_584, %dma_wait3A_585] : memref<2x320000xi32, #tpu.memory_space<hbm>> -> memref<1x128xi32, #tpu.memory_space<hbm>>
      %dma_wait3A_587 = tpu.memref_squeeze %dma_wait3A_586 : memref<1x128xi32, #tpu.memory_space<hbm>> -> memref<128xi32, #tpu.memory_space<hbm>>
      %dma_wait3A_588 = arith.constant 0 : i32
      %dma_wait3A_589 = tpu.memref_slice %arg3[%dma_wait3A_584, %dma_wait3A_588] : memref<2x320000xi32, #tpu.memory_space<hbm>> -> memref<1x128xi32, #tpu.memory_space<hbm>>
      %dma_wait3A_590 = tpu.memref_squeeze %dma_wait3A_589 : memref<1x128xi32, #tpu.memory_space<hbm>> -> memref<128xi32, #tpu.memory_space<hbm>>
      tpu.wait_dma2 semaphore(%arg13 : memref<!tpu.dma_semaphore, #tpu.memory_space<semaphore_mem>>) src(%dma_wait3A_590 : memref<128xi32, #tpu.memory_space<hbm>>) dst(%arg6 : memref<128xi32, #tpu.memory_space<vmem>>)
      %dma_wait3A_591 = arith.constant 0 : i32
      %dma_wait3A_592 = arith.constant 0 : i32
      %dma_wait3A_593 = tpu.memref_slice %arg2[%dma_wait3A_591, %dma_wait3A_592] : memref<320000x128xf32, #tpu.memory_space<hbm>> -> memref<128x128xf32, #tpu.memory_space<hbm>>
      %dma_wait3A_594 = arith.constant 0 : i32
      %dma_wait3A_595 = arith.constant 0 : i32
      %dma_wait3A_596 = tpu.memref_slice %arg2[%dma_wait3A_594, %dma_wait3A_595] : memref<320000x128xf32, #tpu.memory_space<hbm>> -> memref<128x128xf32, #tpu.memory_space<hbm>>
      tpu.wait_dma2 semaphore(%arg13 : memref<!tpu.dma_semaphore, #tpu.memory_space<semaphore_mem>>) src(%dma_wait3A_596 : memref<128x128xf32, #tpu.memory_space<hbm>>) dst(%arg9 : memref<128x128xf32, #tpu.memory_space<vmem>>)
      %dma_start3A_597 = arith.constant 0 : i32
      %dma_start3A_598 = arith.constant 0 : i32
      %dma_start3A_599 = tpu.memref_slice %arg5[%dma_start3A_597, %dma_start3A_598] : memref<10000x128xf32, #tpu.memory_space<vmem_shared>> -> memref<10000x128xf32, #tpu.memory_space<vmem_shared>>
      tpu.enqueue_indirect_dma source(%arg9 : memref<128x128xf32, #tpu.memory_space<vmem>>) target(%dma_start3A_599 : memref<10000x128xf32, #tpu.memory_space<vmem_shared>>) offsets(%arg6 : memref<128xi32, #tpu.memory_space<vmem>>) semaphore(%arg16 : memref<!tpu.dma_semaphore, #tpu.memory_space<semaphore_mem>>) {add = true}
      %add3A_600 = arith.constant 2 : i32
      %add3A_601 = arith.addi %add3A_583, %add3A_600 : i32
      %lt3A_602 = arith.constant 78 : i32
      %lt3A_603 = arith.cmpi slt, %add3A_601, %lt3A_602 : i32
      %convert_element_type3A_604 = arith.extui %lt3A_603 : i1 to i32
      %cond3A_605 = arith.constant 0 : i32
      %cond3A_606 = arith.cmpi ne, %convert_element_type3A_604, %cond3A_605 : i32
      scf.if %cond3A_606 {
        %ge3A = arith.constant 1 : i32
        %ge3A_661 = arith.cmpi sge, %add3A_583, %ge3A : i32
        %convert_element_type3A_662 = arith.extui %ge3A_661 : i1 to i32
        %cond3A_663 = arith.constant 0 : i32
        %cond3A_664 = arith.cmpi ne, %convert_element_type3A_662, %cond3A_663 : i32
        scf.if %cond3A_664 {
          %dma_wait3A_679 = arith.constant 0 : i32
          %dma_wait3A_680 = arith.constant 0 : i32
          %dma_wait3A_681 = tpu.memref_slice %arg5[%dma_wait3A_679, %dma_wait3A_680] : memref<10000x128xf32, #tpu.memory_space<vmem_shared>> -> memref<10000x128xf32, #tpu.memory_space<vmem_shared>>
          tpu.wait_indirect_dma semaphore(%arg18 : memref<!tpu.dma_semaphore, #tpu.memory_space<semaphore_mem>>) src(%arg11 : memref<128x128xf32, #tpu.memory_space<vmem>>) dst(%dma_wait3A_681 : memref<10000x128xf32, #tpu.memory_space<vmem_shared>>)
        } else {
        }
        %add3A_665 = arith.constant 2 : i32
        %add3A_666 = arith.addi %add3A_583, %add3A_665 : i32
        %add3A_667 = arith.addi %mul3A_2, %add3A_666 : i32
        %mul3A_668 = arith.constant 128 : i32
        %mul3A_669 = arith.muli %add3A_667, %mul3A_668 : i32
        %dma_start3A_670 = arith.constant 1 : i32
        %dma_start3A_671 = tpu.memref_slice %arg3[%dma_start3A_670, %mul3A_669] : memref<2x320000xi32, #tpu.memory_space<hbm>> -> memref<1x128xi32, #tpu.memory_space<hbm>>
        %dma_start3A_672 = tpu.memref_squeeze %dma_start3A_671 : memref<1x128xi32, #tpu.memory_space<hbm>> -> memref<128xi32, #tpu.memory_space<hbm>>
        %dma_start3A_673 = tpu.memref_slice %arg3[%dma_start3A_670, %mul3A_669] : memref<2x320000xi32, #tpu.memory_space<hbm>> -> memref<1x128xi32, #tpu.memory_space<hbm>>
        %dma_start3A_674 = tpu.memref_squeeze %dma_start3A_673 : memref<1x128xi32, #tpu.memory_space<hbm>> -> memref<128xi32, #tpu.memory_space<hbm>>
        tpu.enqueue_dma source(%dma_start3A_674 : memref<128xi32, #tpu.memory_space<hbm>>) target(%arg8 : memref<128xi32, #tpu.memory_space<vmem>>) target_semaphore(%arg15 : memref<!tpu.dma_semaphore, #tpu.memory_space<semaphore_mem>>)
        %dma_start3A_675 = arith.constant 0 : i32
        %dma_start3A_676 = tpu.memref_slice %arg2[%mul3A_669, %dma_start3A_675] : memref<320000x128xf32, #tpu.memory_space<hbm>> -> memref<128x128xf32, #tpu.memory_space<hbm>>
        %dma_start3A_677 = arith.constant 0 : i32
        %dma_start3A_678 = tpu.memref_slice %arg2[%mul3A_669, %dma_start3A_677] : memref<320000x128xf32, #tpu.memory_space<hbm>> -> memref<128x128xf32, #tpu.memory_space<hbm>>
        tpu.enqueue_dma source(%dma_start3A_678 : memref<128x128xf32, #tpu.memory_space<hbm>>) target(%arg11 : memref<128x128xf32, #tpu.memory_space<vmem>>) target_semaphore(%arg15 : memref<!tpu.dma_semaphore, #tpu.memory_space<semaphore_mem>>)
      } else {
      }
      %mul3A_607 = arith.constant 3 : i32
      %mul3A_608 = arith.muli %mul3A_607, %scan3A_579 : i32
      %add3A_609 = arith.constant 1 : i32
      %add3A_610 = arith.addi %mul3A_608, %add3A_609 : i32
      %dma_wait3A_611 = arith.constant 1 : i32
      %dma_wait3A_612 = arith.constant 0 : i32
      %dma_wait3A_613 = tpu.memref_slice %arg3[%dma_wait3A_611, %dma_wait3A_612] : memref<2x320000xi32, #tpu.memory_space<hbm>> -> memref<1x128xi32, #tpu.memory_space<hbm>>
      %dma_wait3A_614 = tpu.memref_squeeze %dma_wait3A_613 : memref<1x128xi32, #tpu.memory_space<hbm>> -> memref<128xi32, #tpu.memory_space<hbm>>
      %dma_wait3A_615 = arith.constant 0 : i32
      %dma_wait3A_616 = tpu.memref_slice %arg3[%dma_wait3A_611, %dma_wait3A_615] : memref<2x320000xi32, #tpu.memory_space<hbm>> -> memref<1x128xi32, #tpu.memory_space<hbm>>
      %dma_wait3A_617 = tpu.memref_squeeze %dma_wait3A_616 : memref<1x128xi32, #tpu.memory_space<hbm>> -> memref<128xi32, #tpu.memory_space<hbm>>
      tpu.wait_dma2 semaphore(%arg14 : memref<!tpu.dma_semaphore, #tpu.memory_space<semaphore_mem>>) src(%dma_wait3A_617 : memref<128xi32, #tpu.memory_space<hbm>>) dst(%arg7 : memref<128xi32, #tpu.memory_space<vmem>>)
      %dma_wait3A_618 = arith.constant 0 : i32
      %dma_wait3A_619 = arith.constant 0 : i32
      %dma_wait3A_620 = tpu.memref_slice %arg2[%dma_wait3A_618, %dma_wait3A_619] : memref<320000x128xf32, #tpu.memory_space<hbm>> -> memref<128x128xf32, #tpu.memory_space<hbm>>
      %dma_wait3A_621 = arith.constant 0 : i32
      %dma_wait3A_622 = arith.constant 0 : i32
      %dma_wait3A_623 = tpu.memref_slice %arg2[%dma_wait3A_621, %dma_wait3A_622] : memref<320000x128xf32, #tpu.memory_space<hbm>> -> memref<128x128xf32, #tpu.memory_space<hbm>>
      tpu.wait_dma2 semaphore(%arg14 : memref<!tpu.dma_semaphore, #tpu.memory_space<semaphore_mem>>) src(%dma_wait3A_623 : memref<128x128xf32, #tpu.memory_space<hbm>>) dst(%arg10 : memref<128x128xf32, #tpu.memory_space<vmem>>)
      %dma_start3A_624 = arith.constant 0 : i32
      %dma_start3A_625 = arith.constant 0 : i32
      %dma_start3A_626 = tpu.memref_slice %arg5[%dma_start3A_624, %dma_start3A_625] : memref<10000x128xf32, #tpu.memory_space<vmem_shared>> -> memref<10000x128xf32, #tpu.memory_space<vmem_shared>>
      tpu.enqueue_indirect_dma source(%arg10 : memref<128x128xf32, #tpu.memory_space<vmem>>) target(%dma_start3A_626 : memref<10000x128xf32, #tpu.memory_space<vmem_shared>>) offsets(%arg7 : memref<128xi32, #tpu.memory_space<vmem>>) semaphore(%arg17 : memref<!tpu.dma_semaphore, #tpu.memory_space<semaphore_mem>>) {add = true}
      %add3A_627 = arith.constant 2 : i32
      %add3A_628 = arith.addi %add3A_610, %add3A_627 : i32
      %lt3A_629 = arith.constant 78 : i32
      %lt3A_630 = arith.cmpi slt, %add3A_628, %lt3A_629 : i32
      %convert_element_type3A_631 = arith.extui %lt3A_630 : i1 to i32
      %cond3A_632 = arith.constant 0 : i32
      %cond3A_633 = arith.cmpi ne, %convert_element_type3A_631, %cond3A_632 : i32
      scf.if %cond3A_633 {
        %ge3A = arith.constant 1 : i32
        %ge3A_661 = arith.cmpi sge, %add3A_610, %ge3A : i32
        %convert_element_type3A_662 = arith.extui %ge3A_661 : i1 to i32
        %cond3A_663 = arith.constant 0 : i32
        %cond3A_664 = arith.cmpi ne, %convert_element_type3A_662, %cond3A_663 : i32
        scf.if %cond3A_664 {
          %dma_wait3A_679 = arith.constant 0 : i32
          %dma_wait3A_680 = arith.constant 0 : i32
          %dma_wait3A_681 = tpu.memref_slice %arg5[%dma_wait3A_679, %dma_wait3A_680] : memref<10000x128xf32, #tpu.memory_space<vmem_shared>> -> memref<10000x128xf32, #tpu.memory_space<vmem_shared>>
          tpu.wait_indirect_dma semaphore(%arg16 : memref<!tpu.dma_semaphore, #tpu.memory_space<semaphore_mem>>) src(%arg9 : memref<128x128xf32, #tpu.memory_space<vmem>>) dst(%dma_wait3A_681 : memref<10000x128xf32, #tpu.memory_space<vmem_shared>>)
        } else {
        }
        %add3A_665 = arith.constant 2 : i32
        %add3A_666 = arith.addi %add3A_610, %add3A_665 : i32
        %add3A_667 = arith.addi %mul3A_2, %add3A_666 : i32
        %mul3A_668 = arith.constant 128 : i32
        %mul3A_669 = arith.muli %add3A_667, %mul3A_668 : i32
        %dma_start3A_670 = arith.constant 1 : i32
        %dma_start3A_671 = tpu.memref_slice %arg3[%dma_start3A_670, %mul3A_669] : memref<2x320000xi32, #tpu.memory_space<hbm>> -> memref<1x128xi32, #tpu.memory_space<hbm>>
        %dma_start3A_672 = tpu.memref_squeeze %dma_start3A_671 : memref<1x128xi32, #tpu.memory_space<hbm>> -> memref<128xi32, #tpu.memory_space<hbm>>
        %dma_start3A_673 = tpu.memref_slice %arg3[%dma_start3A_670, %mul3A_669] : memref<2x320000xi32, #tpu.memory_space<hbm>> -> memref<1x128xi32, #tpu.memory_space<hbm>>
        %dma_start3A_674 = tpu.memref_squeeze %dma_start3A_673 : memref<1x128xi32, #tpu.memory_space<hbm>> -> memref<128xi32, #tpu.memory_space<hbm>>
        tpu.enqueue_dma source(%dma_start3A_674 : memref<128xi32, #tpu.memory_space<hbm>>) target(%arg6 : memref<128xi32, #tpu.memory_space<vmem>>) target_semaphore(%arg13 : memref<!tpu.dma_semaphore, #tpu.memory_space<semaphore_mem>>)
        %dma_start3A_675 = arith.constant 0 : i32
        %dma_start3A_676 = tpu.memref_slice %arg2[%mul3A_669, %dma_start3A_675] : memref<320000x128xf32, #tpu.memory_space<hbm>> -> memref<128x128xf32, #tpu.memory_space<hbm>>
        %dma_start3A_677 = arith.constant 0 : i32
        %dma_start3A_678 = tpu.memref_slice %arg2[%mul3A_669, %dma_start3A_677] : memref<320000x128xf32, #tpu.memory_space<hbm>> -> memref<128x128xf32, #tpu.memory_space<hbm>>
        tpu.enqueue_dma source(%dma_start3A_678 : memref<128x128xf32, #tpu.memory_space<hbm>>) target(%arg9 : memref<128x128xf32, #tpu.memory_space<vmem>>) target_semaphore(%arg13 : memref<!tpu.dma_semaphore, #tpu.memory_space<semaphore_mem>>)
      } else {
      }
      %mul3A_634 = arith.constant 3 : i32
      %mul3A_635 = arith.muli %mul3A_634, %scan3A_579 : i32
      %add3A_636 = arith.constant 2 : i32
      %add3A_637 = arith.addi %mul3A_635, %add3A_636 : i32
      %dma_wait3A_638 = arith.constant 1 : i32
      %dma_wait3A_639 = arith.constant 0 : i32
      %dma_wait3A_640 = tpu.memref_slice %arg3[%dma_wait3A_638, %dma_wait3A_639] : memref<2x320000xi32, #tpu.memory_space<hbm>> -> memref<1x128xi32, #tpu.memory_space<hbm>>
      %dma_wait3A_641 = tpu.memref_squeeze %dma_wait3A_640 : memref<1x128xi32, #tpu.memory_space<hbm>> -> memref<128xi32, #tpu.memory_space<hbm>>
      %dma_wait3A_642 = arith.constant 0 : i32
      %dma_wait3A_643 = tpu.memref_slice %arg3[%dma_wait3A_638, %dma_wait3A_642] : memref<2x320000xi32, #tpu.memory_space<hbm>> -> memref<1x128xi32, #tpu.memory_space<hbm>>
      %dma_wait3A_644 = tpu.memref_squeeze %dma_wait3A_643 : memref<1x128xi32, #tpu.memory_space<hbm>> -> memref<128xi32, #tpu.memory_space<hbm>>
      tpu.wait_dma2 semaphore(%arg15 : memref<!tpu.dma_semaphore, #tpu.memory_space<semaphore_mem>>) src(%dma_wait3A_644 : memref<128xi32, #tpu.memory_space<hbm>>) dst(%arg8 : memref<128xi32, #tpu.memory_space<vmem>>)
      %dma_wait3A_645 = arith.constant 0 : i32
      %dma_wait3A_646 = arith.constant 0 : i32
      %dma_wait3A_647 = tpu.memref_slice %arg2[%dma_wait3A_645, %dma_wait3A_646] : memref<320000x128xf32, #tpu.memory_space<hbm>> -> memref<128x128xf32, #tpu.memory_space<hbm>>
      %dma_wait3A_648 = arith.constant 0 : i32
      %dma_wait3A_649 = arith.constant 0 : i32
      %dma_wait3A_650 = tpu.memref_slice %arg2[%dma_wait3A_648, %dma_wait3A_649] : memref<320000x128xf32, #tpu.memory_space<hbm>> -> memref<128x128xf32, #tpu.memory_space<hbm>>
      tpu.wait_dma2 semaphore(%arg15 : memref<!tpu.dma_semaphore, #tpu.memory_space<semaphore_mem>>) src(%dma_wait3A_650 : memref<128x128xf32, #tpu.memory_space<hbm>>) dst(%arg11 : memref<128x128xf32, #tpu.memory_space<vmem>>)
      %dma_start3A_651 = arith.constant 0 : i32
      %dma_start3A_652 = arith.constant 0 : i32
      %dma_start3A_653 = tpu.memref_slice %arg5[%dma_start3A_651, %dma_start3A_652] : memref<10000x128xf32, #tpu.memory_space<vmem_shared>> -> memref<10000x128xf32, #tpu.memory_space<vmem_shared>>
      tpu.enqueue_indirect_dma source(%arg11 : memref<128x128xf32, #tpu.memory_space<vmem>>) target(%dma_start3A_653 : memref<10000x128xf32, #tpu.memory_space<vmem_shared>>) offsets(%arg8 : memref<128xi32, #tpu.memory_space<vmem>>) semaphore(%arg18 : memref<!tpu.dma_semaphore, #tpu.memory_space<semaphore_mem>>) {add = true}
      %add3A_654 = arith.constant 2 : i32
      %add3A_655 = arith.addi %add3A_637, %add3A_654 : i32
      %lt3A_656 = arith.constant 78 : i32
      %lt3A_657 = arith.cmpi slt, %add3A_655, %lt3A_656 : i32
      %convert_element_type3A_658 = arith.extui %lt3A_657 : i1 to i32
      %cond3A_659 = arith.constant 0 : i32
      %cond3A_660 = arith.cmpi ne, %convert_element_type3A_658, %cond3A_659 : i32
      scf.if %cond3A_660 {
        %ge3A = arith.constant 1 : i32
        %ge3A_661 = arith.cmpi sge, %add3A_637, %ge3A : i32
        %convert_element_type3A_662 = arith.extui %ge3A_661 : i1 to i32
        %cond3A_663 = arith.constant 0 : i32
        %cond3A_664 = arith.cmpi ne, %convert_element_type3A_662, %cond3A_663 : i32
        scf.if %cond3A_664 {
          %dma_wait3A_679 = arith.constant 0 : i32
          %dma_wait3A_680 = arith.constant 0 : i32
          %dma_wait3A_681 = tpu.memref_slice %arg5[%dma_wait3A_679, %dma_wait3A_680] : memref<10000x128xf32, #tpu.memory_space<vmem_shared>> -> memref<10000x128xf32, #tpu.memory_space<vmem_shared>>
          tpu.wait_indirect_dma semaphore(%arg17 : memref<!tpu.dma_semaphore, #tpu.memory_space<semaphore_mem>>) src(%arg10 : memref<128x128xf32, #tpu.memory_space<vmem>>) dst(%dma_wait3A_681 : memref<10000x128xf32, #tpu.memory_space<vmem_shared>>)
        } else {
        }
        %add3A_665 = arith.constant 2 : i32
        %add3A_666 = arith.addi %add3A_637, %add3A_665 : i32
        %add3A_667 = arith.addi %mul3A_2, %add3A_666 : i32
        %mul3A_668 = arith.constant 128 : i32
        %mul3A_669 = arith.muli %add3A_667, %mul3A_668 : i32
        %dma_start3A_670 = arith.constant 1 : i32
        %dma_start3A_671 = tpu.memref_slice %arg3[%dma_start3A_670, %mul3A_669] : memref<2x320000xi32, #tpu.memory_space<hbm>> -> memref<1x128xi32, #tpu.memory_space<hbm>>
        %dma_start3A_672 = tpu.memref_squeeze %dma_start3A_671 : memref<1x128xi32, #tpu.memory_space<hbm>> -> memref<128xi32, #tpu.memory_space<hbm>>
        %dma_start3A_673 = tpu.memref_slice %arg3[%dma_start3A_670, %mul3A_669] : memref<2x320000xi32, #tpu.memory_space<hbm>> -> memref<1x128xi32, #tpu.memory_space<hbm>>
        %dma_start3A_674 = tpu.memref_squeeze %dma_start3A_673 : memref<1x128xi32, #tpu.memory_space<hbm>> -> memref<128xi32, #tpu.memory_space<hbm>>
        tpu.enqueue_dma source(%dma_start3A_674 : memref<128xi32, #tpu.memory_space<hbm>>) target(%arg7 : memref<128xi32, #tpu.memory_space<vmem>>) target_semaphore(%arg14 : memref<!tpu.dma_semaphore, #tpu.memory_space<semaphore_mem>>)
        %dma_start3A_675 = arith.constant 0 : i32
        %dma_start3A_676 = tpu.memref_slice %arg2[%mul3A_669, %dma_start3A_675] : memref<320000x128xf32, #tpu.memory_space<hbm>> -> memref<128x128xf32, #tpu.memory_space<hbm>>
        %dma_start3A_677 = arith.constant 0 : i32
        %dma_start3A_678 = tpu.memref_slice %arg2[%mul3A_669, %dma_start3A_677] : memref<320000x128xf32, #tpu.memory_space<hbm>> -> memref<128x128xf32, #tpu.memory_space<hbm>>
        tpu.enqueue_dma source(%dma_start3A_678 : memref<128x128xf32, #tpu.memory_space<hbm>>) target(%arg10 : memref<128x128xf32, #tpu.memory_space<vmem>>) target_semaphore(%arg14 : memref<!tpu.dma_semaphore, #tpu.memory_space<semaphore_mem>>)
      } else {
      }
    }
    %scan3A_556 = arith.constant 26 : i32
    %dma_wait3A = arith.constant 0 : i32
    %dma_wait3A_557 = arith.constant 0 : i32
    %dma_wait3A_558 = tpu.memref_slice %arg5[%dma_wait3A, %dma_wait3A_557] : memref<10000x128xf32, #tpu.memory_space<vmem_shared>> -> memref<10000x128xf32, #tpu.memory_space<vmem_shared>>
    tpu.wait_indirect_dma semaphore(%arg16 : memref<!tpu.dma_semaphore, #tpu.memory_space<semaphore_mem>>) src(%arg9 : memref<128x128xf32, #tpu.memory_space<vmem>>) dst(%dma_wait3A_558 : memref<10000x128xf32, #tpu.memory_space<vmem_shared>>)
    %dma_wait3A_559 = arith.constant 0 : i32
    %dma_wait3A_560 = arith.constant 0 : i32
    %dma_wait3A_561 = tpu.memref_slice %arg5[%dma_wait3A_559, %dma_wait3A_560] : memref<10000x128xf32, #tpu.memory_space<vmem_shared>> -> memref<10000x128xf32, #tpu.memory_space<vmem_shared>>
    tpu.wait_indirect_dma semaphore(%arg17 : memref<!tpu.dma_semaphore, #tpu.memory_space<semaphore_mem>>) src(%arg10 : memref<128x128xf32, #tpu.memory_space<vmem>>) dst(%dma_wait3A_561 : memref<10000x128xf32, #tpu.memory_space<vmem_shared>>)
    %dma_wait3A_562 = arith.constant 0 : i32
    %dma_wait3A_563 = arith.constant 0 : i32
    %dma_wait3A_564 = tpu.memref_slice %arg5[%dma_wait3A_562, %dma_wait3A_563] : memref<10000x128xf32, #tpu.memory_space<vmem_shared>> -> memref<10000x128xf32, #tpu.memory_space<vmem_shared>>
    tpu.wait_indirect_dma semaphore(%arg18 : memref<!tpu.dma_semaphore, #tpu.memory_space<semaphore_mem>>) src(%arg11 : memref<128x128xf32, #tpu.memory_space<vmem>>) dst(%dma_wait3A_564 : memref<10000x128xf32, #tpu.memory_space<vmem_shared>>)
    %lt3A = arith.constant 4 : i32
    %lt3A_565 = arith.cmpi slt, %add3A, %lt3A : i32
    %convert_element_type3A_566 = arith.extui %lt3A_565 : i1 to i32
    %cond3A = arith.constant 0 : i32
    %cond3A_567 = arith.cmpi ne, %convert_element_type3A_566, %cond3A : i32
    scf.if %cond3A_567 {
      %add3A_579 = arith.constant 2496 : i32
      %add3A_580 = arith.addi %add3A_579, %add3A : i32
      %mul3A_581 = arith.constant 128 : i32
      %mul3A_582 = arith.muli %add3A_580, %mul3A_581 : i32
      %run_scoped3A = arith.constant 1 : i32
      "tpu.region"() ({
        %run_scoped3A_583 = tpu.sem_alloc : memref<!tpu.dma_semaphore, #tpu.memory_space<semaphore_mem>>
        %dma_start3A_584 = tpu.memref_slice %arg3[%run_scoped3A, %mul3A_582] : memref<2x320000xi32, #tpu.memory_space<hbm>> -> memref<1x128xi32, #tpu.memory_space<hbm>>
        %dma_start3A_585 = tpu.memref_squeeze %dma_start3A_584 : memref<1x128xi32, #tpu.memory_space<hbm>> -> memref<128xi32, #tpu.memory_space<hbm>>
        %dma_start3A_586 = tpu.memref_slice %arg3[%run_scoped3A, %mul3A_582] : memref<2x320000xi32, #tpu.memory_space<hbm>> -> memref<1x128xi32, #tpu.memory_space<hbm>>
        %dma_start3A_587 = tpu.memref_squeeze %dma_start3A_586 : memref<1x128xi32, #tpu.memory_space<hbm>> -> memref<128xi32, #tpu.memory_space<hbm>>
        tpu.enqueue_dma source(%dma_start3A_587 : memref<128xi32, #tpu.memory_space<hbm>>) target(%arg6 : memref<128xi32, #tpu.memory_space<vmem>>) target_semaphore(%run_scoped3A_583 : memref<!tpu.dma_semaphore, #tpu.memory_space<semaphore_mem>>)
        %dma_wait3A_588 = tpu.memref_slice %arg3[%run_scoped3A, %mul3A_582] : memref<2x320000xi32, #tpu.memory_space<hbm>> -> memref<1x128xi32, #tpu.memory_space<hbm>>
        %dma_wait3A_589 = tpu.memref_squeeze %dma_wait3A_588 : memref<1x128xi32, #tpu.memory_space<hbm>> -> memref<128xi32, #tpu.memory_space<hbm>>
        %dma_wait3A_590 = tpu.memref_slice %arg3[%run_scoped3A, %mul3A_582] : memref<2x320000xi32, #tpu.memory_space<hbm>> -> memref<1x128xi32, #tpu.memory_space<hbm>>
        %dma_wait3A_591 = tpu.memref_squeeze %dma_wait3A_590 : memref<1x128xi32, #tpu.memory_space<hbm>> -> memref<128xi32, #tpu.memory_space<hbm>>
        tpu.wait_dma2 semaphore(%run_scoped3A_583 : memref<!tpu.dma_semaphore, #tpu.memory_space<semaphore_mem>>) src(%dma_wait3A_591 : memref<128xi32, #tpu.memory_space<hbm>>) dst(%arg6 : memref<128xi32, #tpu.memory_space<vmem>>)
        tpu.yield
      }) : () -> ()
      "tpu.region"() ({
        %run_scoped3A_583 = tpu.sem_alloc : memref<!tpu.dma_semaphore, #tpu.memory_space<semaphore_mem>>
        %dma_start3A_584 = arith.constant 0 : i32
        %dma_start3A_585 = tpu.memref_slice %arg2[%mul3A_582, %dma_start3A_584] : memref<320000x128xf32, #tpu.memory_space<hbm>> -> memref<128x128xf32, #tpu.memory_space<hbm>>
        %dma_start3A_586 = arith.constant 0 : i32
        %dma_start3A_587 = tpu.memref_slice %arg2[%mul3A_582, %dma_start3A_586] : memref<320000x128xf32, #tpu.memory_space<hbm>> -> memref<128x128xf32, #tpu.memory_space<hbm>>
        tpu.enqueue_dma source(%dma_start3A_587 : memref<128x128xf32, #tpu.memory_space<hbm>>) target(%arg9 : memref<128x128xf32, #tpu.memory_space<vmem>>) target_semaphore(%run_scoped3A_583 : memref<!tpu.dma_semaphore, #tpu.memory_space<semaphore_mem>>)
        %dma_wait3A_588 = arith.constant 0 : i32
        %dma_wait3A_589 = tpu.memref_slice %arg2[%mul3A_582, %dma_wait3A_588] : memref<320000x128xf32, #tpu.memory_space<hbm>> -> memref<128x128xf32, #tpu.memory_space<hbm>>
        %dma_wait3A_590 = arith.constant 0 : i32
        %dma_wait3A_591 = tpu.memref_slice %arg2[%mul3A_582, %dma_wait3A_590] : memref<320000x128xf32, #tpu.memory_space<hbm>> -> memref<128x128xf32, #tpu.memory_space<hbm>>
        tpu.wait_dma2 semaphore(%run_scoped3A_583 : memref<!tpu.dma_semaphore, #tpu.memory_space<semaphore_mem>>) src(%dma_wait3A_591 : memref<128x128xf32, #tpu.memory_space<hbm>>) dst(%arg9 : memref<128x128xf32, #tpu.memory_space<vmem>>)
        tpu.yield
      }) : () -> ()
      "tpu.region"() ({
        %run_scoped3A_583 = tpu.sem_alloc : memref<!tpu.dma_semaphore, #tpu.memory_space<semaphore_mem>>
        %dma_start3A_584 = arith.constant 0 : i32
        %dma_start3A_585 = arith.constant 0 : i32
        %dma_start3A_586 = tpu.memref_slice %arg5[%dma_start3A_584, %dma_start3A_585] : memref<10000x128xf32, #tpu.memory_space<vmem_shared>> -> memref<10000x128xf32, #tpu.memory_space<vmem_shared>>
        tpu.enqueue_indirect_dma source(%arg9 : memref<128x128xf32, #tpu.memory_space<vmem>>) target(%dma_start3A_586 : memref<10000x128xf32, #tpu.memory_space<vmem_shared>>) offsets(%arg6 : memref<128xi32, #tpu.memory_space<vmem>>) semaphore(%run_scoped3A_583 : memref<!tpu.dma_semaphore, #tpu.memory_space<semaphore_mem>>) {add = true}
        %dma_wait3A_587 = arith.constant 0 : i32
        %dma_wait3A_588 = arith.constant 0 : i32
        %dma_wait3A_589 = tpu.memref_slice %arg5[%dma_wait3A_587, %dma_wait3A_588] : memref<10000x128xf32, #tpu.memory_space<vmem_shared>> -> memref<10000x128xf32, #tpu.memory_space<vmem_shared>>
        tpu.wait_indirect_dma semaphore(%run_scoped3A_583 : memref<!tpu.dma_semaphore, #tpu.memory_space<semaphore_mem>>) src(%arg9 : memref<128x128xf32, #tpu.memory_space<vmem>>) dst(%dma_wait3A_589 : memref<10000x128xf32, #tpu.memory_space<vmem_shared>>)
        tpu.yield
      }) : () -> ()
    } else {
    }
    %barrier3A_568 = arith.constant 0 : index
    tpu.barrier barrier_id(%barrier3A_568)
    %lt3A_569 = arith.constant 15 : i32
    %lt3A_570 = arith.cmpi slt, %arg1, %lt3A_569 : i32
    %convert_element_type3A_571 = arith.extui %lt3A_570 : i1 to i32
    %cond3A_572 = arith.constant 0 : i32
    %cond3A_573 = arith.cmpi ne, %convert_element_type3A_571, %cond3A_572 : i32
    scf.if %cond3A_573 {
      %mul3A_579 = arith.constant 624 : i32
      %mul3A_580 = arith.muli %arg1, %mul3A_579 : i32
      %mul3A_581 = arith.constant 624 : i32
      %mul3A_582 = arith.muli %arg1, %mul3A_581 : i32
      "tpu.region"() ({
        %run_scoped3A = tpu.sem_alloc : memref<!tpu.dma_semaphore, #tpu.memory_space<semaphore_mem>>
        %dma_start3A_583 = arith.constant 0 : i32
        %dma_start3A_584 = tpu.memref_slice %arg4[%arg0, %mul3A_582, %dma_start3A_583] : memref<2x10000x128xf32, #tpu.memory_space<hbm>> -> memref<1x624x128xf32, #tpu.memory_space<hbm>>
        %dma_start3A_585 = tpu.memref_squeeze %dma_start3A_584 : memref<1x624x128xf32, #tpu.memory_space<hbm>> -> memref<624x128xf32, #tpu.memory_space<hbm>>
        %dma_start3A_586 = arith.constant 0 : i32
        %dma_start3A_587 = tpu.memref_slice %arg5[%mul3A_580, %dma_start3A_586] : memref<10000x128xf32, #tpu.memory_space<vmem_shared>> -> memref<624x128xf32, #tpu.memory_space<vmem_shared>>
        tpu.enqueue_dma source(%dma_start3A_587 : memref<624x128xf32, #tpu.memory_space<vmem_shared>>) target(%dma_start3A_585 : memref<624x128xf32, #tpu.memory_space<hbm>>) target_semaphore(%run_scoped3A : memref<!tpu.dma_semaphore, #tpu.memory_space<semaphore_mem>>)
        %dma_wait3A_588 = arith.constant 0 : i32
        %dma_wait3A_589 = tpu.memref_slice %arg4[%arg0, %mul3A_582, %dma_wait3A_588] : memref<2x10000x128xf32, #tpu.memory_space<hbm>> -> memref<1x624x128xf32, #tpu.memory_space<hbm>>
        %dma_wait3A_590 = tpu.memref_squeeze %dma_wait3A_589 : memref<1x624x128xf32, #tpu.memory_space<hbm>> -> memref<624x128xf32, #tpu.memory_space<hbm>>
        %dma_wait3A_591 = arith.constant 0 : i32
        %dma_wait3A_592 = tpu.memref_slice %arg5[%mul3A_580, %dma_wait3A_591] : memref<10000x128xf32, #tpu.memory_space<vmem_shared>> -> memref<624x128xf32, #tpu.memory_space<vmem_shared>>
        tpu.wait_dma2 semaphore(%run_scoped3A : memref<!tpu.dma_semaphore, #tpu.memory_space<semaphore_mem>>) src(%dma_wait3A_592 : memref<624x128xf32, #tpu.memory_space<vmem_shared>>) dst(%dma_wait3A_590 : memref<624x128xf32, #tpu.memory_space<hbm>>)
        tpu.yield
      }) : () -> ()
    } else {
    }
    %eq3A_574 = arith.constant 15 : i32
    %eq3A_575 = arith.cmpi eq, %arg1, %eq3A_574 : i32
    %convert_element_type3A_576 = arith.extui %eq3A_575 : i1 to i32
    %cond3A_577 = arith.constant 0 : i32
    %cond3A_578 = arith.cmpi ne, %convert_element_type3A_576, %cond3A_577 : i32
    scf.if %cond3A_578 {
      "tpu.region"() ({
        %run_scoped3A = tpu.sem_alloc : memref<!tpu.dma_semaphore, #tpu.memory_space<semaphore_mem>>
        %dma_start3A_579 = arith.constant 9360 : i32
        %dma_start3A_580 = arith.constant 0 : i32
        %dma_start3A_581 = tpu.memref_slice %arg4[%arg0, %dma_start3A_579, %dma_start3A_580] : memref<2x10000x128xf32, #tpu.memory_space<hbm>> -> memref<1x640x128xf32, #tpu.memory_space<hbm>>
        %dma_start3A_582 = tpu.memref_squeeze %dma_start3A_581 : memref<1x640x128xf32, #tpu.memory_space<hbm>> -> memref<640x128xf32, #tpu.memory_space<hbm>>
        %dma_start3A_583 = arith.constant 9360 : i32
        %dma_start3A_584 = arith.constant 0 : i32
        %dma_start3A_585 = tpu.memref_slice %arg5[%dma_start3A_583, %dma_start3A_584] : memref<10000x128xf32, #tpu.memory_space<vmem_shared>> -> memref<640x128xf32, #tpu.memory_space<vmem_shared>>
        tpu.enqueue_dma source(%dma_start3A_585 : memref<640x128xf32, #tpu.memory_space<vmem_shared>>) target(%dma_start3A_582 : memref<640x128xf32, #tpu.memory_space<hbm>>) target_semaphore(%run_scoped3A : memref<!tpu.dma_semaphore, #tpu.memory_space<semaphore_mem>>)
        %dma_wait3A_586 = arith.constant 9360 : i32
        %dma_wait3A_587 = arith.constant 0 : i32
        %dma_wait3A_588 = tpu.memref_slice %arg4[%arg0, %dma_wait3A_586, %dma_wait3A_587] : memref<2x10000x128xf32, #tpu.memory_space<hbm>> -> memref<1x640x128xf32, #tpu.memory_space<hbm>>
        %dma_wait3A_589 = tpu.memref_squeeze %dma_wait3A_588 : memref<1x640x128xf32, #tpu.memory_space<hbm>> -> memref<640x128xf32, #tpu.memory_space<hbm>>
        %dma_wait3A_590 = arith.constant 9360 : i32
        %dma_wait3A_591 = arith.constant 0 : i32
        %dma_wait3A_592 = tpu.memref_slice %arg5[%dma_wait3A_590, %dma_wait3A_591] : memref<10000x128xf32, #tpu.memory_space<vmem_shared>> -> memref<640x128xf32, #tpu.memory_space<vmem_shared>>
        tpu.wait_dma2 semaphore(%run_scoped3A : memref<!tpu.dma_semaphore, #tpu.memory_space<semaphore_mem>>) src(%dma_wait3A_592 : memref<640x128xf32, #tpu.memory_space<vmem_shared>>) dst(%dma_wait3A_589 : memref<640x128xf32, #tpu.memory_space<hbm>>)
        tpu.yield
      }) : () -> ()
    } else {
    }
    return
  }
}

module attributes {stable_mosaic.version = 14 : i64} {
  func.func @_sc_part_body(%arg0: i32, %arg1: memref<400x128xf32, #tpu.memory_space<vmem>>, %arg2: memref<400x16xf32, #tpu.memory_space<vmem>>, %arg3: memref<16x128x128xbf16, #tpu.memory_space<vmem>>, %arg4: memref<400x128xf32, #tpu.memory_space<vmem>>) attributes {dimension_semantics = [#tpu.dimension_semantics<arbitrary>], iteration_bounds = array<i64: 25>, scalar_prefetch = 0 : i64, scratch_operands = 0 : i64, tpu.core_type = #tpu.core_type<tc>, window_params = [{transform_indices = @transform_0, window_bounds = array<i64: 400, 128>}, {transform_indices = @transform_1, window_bounds = array<i64: 400, 16>}, {pipeline_mode = #tpu.pipeline_mode<synchronous>, transform_indices = @transform_2, window_bounds = array<i64: 16, 128, 128>}, {transform_indices = @transform_3, window_bounds = array<i64: 400, 128>}]} {
    %get3A = arith.constant 0 : index
    %get3A_0 = arith.constant 0 : index
    %get3A_1 = vector.load %arg1[%get3A, %get3A_0] : memref<400x128xf32, #tpu.memory_space<vmem>>, vector<400x128xf32>
    %get3A_2 = arith.constant 0 : index
    %get3A_3 = arith.constant 0 : index
    %get3A_4 = vector.load %arg2[%get3A_2, %get3A_3] : memref<400x16xf32, #tpu.memory_space<vmem>>, vector<400x16xf32>
    %broadcast_in_dim3A = arith.constant 0.000000e+00 : f32
    %broadcast_in_dim3A_5 = vector.broadcast %broadcast_in_dim3A : f32 to vector<400x128xf32>
    %slice3A = vector.extract_strided_slice %get3A_4 {offsets = [0, 0], sizes = [400, 1], strides = [1, 1]} : vector<400x16xf32> to vector<400x1xf32>
    %squeeze3A = vector.shape_cast %slice3A : vector<400x1xf32> to vector<400xf32>
    %broadcast_in_dim3A_6 = vector.shape_cast %squeeze3A : vector<400xf32> to vector<400x1xf32>
    %mul3A = vector.broadcast %broadcast_in_dim3A_6 : vector<400x1xf32> to vector<400x128xf32>
    %mul3A_7 = arith.mulf %get3A_1, %mul3A : vector<400x128xf32>
    %convert_element_type3A = arith.truncf %mul3A_7 : vector<400x128xf32> to vector<400x128xbf16>
    %get3A_8 = arith.constant 0 : index
    %get3A_9 = arith.constant 0 : index
    %get3A_10 = arith.constant 0 : index
    %get3A_11 = vector.load %arg3[%get3A_8, %get3A_9, %get3A_10] : memref<16x128x128xbf16, #tpu.memory_space<vmem>>, vector<1x128x128xbf16>
    %get3A_12 = vector.shape_cast %get3A_11 : vector<1x128x128xbf16> to vector<128x128xbf16>
    %dot_general3A = arith.constant dense<0.000000e+00> : vector<400x128xf32>
    %dot_general3A_13 = tpu.matmul %convert_element_type3A, %get3A_12, %dot_general3A {dimension_numbers = #tpu.dot_dimension_numbers<[1], [0], [0], [1], [0, 0, 1, 1], [], []>, transpose_lhs_hint = false} : vector<400x128xbf16>, vector<128x128xbf16>, vector<400x128xf32> -> vector<400x128xf32>
    %add3A = arith.addf %broadcast_in_dim3A_5, %dot_general3A_13 : vector<400x128xf32>
    %slice3A_14 = vector.extract_strided_slice %get3A_4 {offsets = [0, 1], sizes = [400, 1], strides = [1, 1]} : vector<400x16xf32> to vector<400x1xf32>
    %squeeze3A_15 = vector.shape_cast %slice3A_14 : vector<400x1xf32> to vector<400xf32>
    %broadcast_in_dim3A_16 = vector.shape_cast %squeeze3A_15 : vector<400xf32> to vector<400x1xf32>
    %mul3A_17 = vector.broadcast %broadcast_in_dim3A_16 : vector<400x1xf32> to vector<400x128xf32>
    %mul3A_18 = arith.mulf %get3A_1, %mul3A_17 : vector<400x128xf32>
    %convert_element_type3A_19 = arith.truncf %mul3A_18 : vector<400x128xf32> to vector<400x128xbf16>
    %get3A_20 = arith.constant 1 : index
    %get3A_21 = arith.constant 0 : index
    %get3A_22 = arith.constant 0 : index
    %get3A_23 = vector.load %arg3[%get3A_20, %get3A_21, %get3A_22] : memref<16x128x128xbf16, #tpu.memory_space<vmem>>, vector<1x128x128xbf16>
    %get3A_24 = vector.shape_cast %get3A_23 : vector<1x128x128xbf16> to vector<128x128xbf16>
    %dot_general3A_25 = arith.constant dense<0.000000e+00> : vector<400x128xf32>
    %dot_general3A_26 = tpu.matmul %convert_element_type3A_19, %get3A_24, %dot_general3A_25 {dimension_numbers = #tpu.dot_dimension_numbers<[1], [0], [0], [1], [0, 0, 1, 1], [], []>, transpose_lhs_hint = false} : vector<400x128xbf16>, vector<128x128xbf16>, vector<400x128xf32> -> vector<400x128xf32>
    %add3A_27 = arith.addf %add3A, %dot_general3A_26 : vector<400x128xf32>
    %slice3A_28 = vector.extract_strided_slice %get3A_4 {offsets = [0, 2], sizes = [400, 1], strides = [1, 1]} : vector<400x16xf32> to vector<400x1xf32>
    %squeeze3A_29 = vector.shape_cast %slice3A_28 : vector<400x1xf32> to vector<400xf32>
    %broadcast_in_dim3A_30 = vector.shape_cast %squeeze3A_29 : vector<400xf32> to vector<400x1xf32>
    %mul3A_31 = vector.broadcast %broadcast_in_dim3A_30 : vector<400x1xf32> to vector<400x128xf32>
    %mul3A_32 = arith.mulf %get3A_1, %mul3A_31 : vector<400x128xf32>
    %convert_element_type3A_33 = arith.truncf %mul3A_32 : vector<400x128xf32> to vector<400x128xbf16>
    %get3A_34 = arith.constant 2 : index
    %get3A_35 = arith.constant 0 : index
    %get3A_36 = arith.constant 0 : index
    %get3A_37 = vector.load %arg3[%get3A_34, %get3A_35, %get3A_36] : memref<16x128x128xbf16, #tpu.memory_space<vmem>>, vector<1x128x128xbf16>
    %get3A_38 = vector.shape_cast %get3A_37 : vector<1x128x128xbf16> to vector<128x128xbf16>
    %dot_general3A_39 = arith.constant dense<0.000000e+00> : vector<400x128xf32>
    %dot_general3A_40 = tpu.matmul %convert_element_type3A_33, %get3A_38, %dot_general3A_39 {dimension_numbers = #tpu.dot_dimension_numbers<[1], [0], [0], [1], [0, 0, 1, 1], [], []>, transpose_lhs_hint = false} : vector<400x128xbf16>, vector<128x128xbf16>, vector<400x128xf32> -> vector<400x128xf32>
    %add3A_41 = arith.addf %add3A_27, %dot_general3A_40 : vector<400x128xf32>
    %slice3A_42 = vector.extract_strided_slice %get3A_4 {offsets = [0, 3], sizes = [400, 1], strides = [1, 1]} : vector<400x16xf32> to vector<400x1xf32>
    %squeeze3A_43 = vector.shape_cast %slice3A_42 : vector<400x1xf32> to vector<400xf32>
    %broadcast_in_dim3A_44 = vector.shape_cast %squeeze3A_43 : vector<400xf32> to vector<400x1xf32>
    %mul3A_45 = vector.broadcast %broadcast_in_dim3A_44 : vector<400x1xf32> to vector<400x128xf32>
    %mul3A_46 = arith.mulf %get3A_1, %mul3A_45 : vector<400x128xf32>
    %convert_element_type3A_47 = arith.truncf %mul3A_46 : vector<400x128xf32> to vector<400x128xbf16>
    %get3A_48 = arith.constant 3 : index
    %get3A_49 = arith.constant 0 : index
    %get3A_50 = arith.constant 0 : index
    %get3A_51 = vector.load %arg3[%get3A_48, %get3A_49, %get3A_50] : memref<16x128x128xbf16, #tpu.memory_space<vmem>>, vector<1x128x128xbf16>
    %get3A_52 = vector.shape_cast %get3A_51 : vector<1x128x128xbf16> to vector<128x128xbf16>
    %dot_general3A_53 = arith.constant dense<0.000000e+00> : vector<400x128xf32>
    %dot_general3A_54 = tpu.matmul %convert_element_type3A_47, %get3A_52, %dot_general3A_53 {dimension_numbers = #tpu.dot_dimension_numbers<[1], [0], [0], [1], [0, 0, 1, 1], [], []>, transpose_lhs_hint = false} : vector<400x128xbf16>, vector<128x128xbf16>, vector<400x128xf32> -> vector<400x128xf32>
    %add3A_55 = arith.addf %add3A_41, %dot_general3A_54 : vector<400x128xf32>
    %slice3A_56 = vector.extract_strided_slice %get3A_4 {offsets = [0, 4], sizes = [400, 1], strides = [1, 1]} : vector<400x16xf32> to vector<400x1xf32>
    %squeeze3A_57 = vector.shape_cast %slice3A_56 : vector<400x1xf32> to vector<400xf32>
    %broadcast_in_dim3A_58 = vector.shape_cast %squeeze3A_57 : vector<400xf32> to vector<400x1xf32>
    %mul3A_59 = vector.broadcast %broadcast_in_dim3A_58 : vector<400x1xf32> to vector<400x128xf32>
    %mul3A_60 = arith.mulf %get3A_1, %mul3A_59 : vector<400x128xf32>
    %convert_element_type3A_61 = arith.truncf %mul3A_60 : vector<400x128xf32> to vector<400x128xbf16>
    %get3A_62 = arith.constant 4 : index
    %get3A_63 = arith.constant 0 : index
    %get3A_64 = arith.constant 0 : index
    %get3A_65 = vector.load %arg3[%get3A_62, %get3A_63, %get3A_64] : memref<16x128x128xbf16, #tpu.memory_space<vmem>>, vector<1x128x128xbf16>
    %get3A_66 = vector.shape_cast %get3A_65 : vector<1x128x128xbf16> to vector<128x128xbf16>
    %dot_general3A_67 = arith.constant dense<0.000000e+00> : vector<400x128xf32>
    %dot_general3A_68 = tpu.matmul %convert_element_type3A_61, %get3A_66, %dot_general3A_67 {dimension_numbers = #tpu.dot_dimension_numbers<[1], [0], [0], [1], [0, 0, 1, 1], [], []>, transpose_lhs_hint = false} : vector<400x128xbf16>, vector<128x128xbf16>, vector<400x128xf32> -> vector<400x128xf32>
    %add3A_69 = arith.addf %add3A_55, %dot_general3A_68 : vector<400x128xf32>
    %slice3A_70 = vector.extract_strided_slice %get3A_4 {offsets = [0, 5], sizes = [400, 1], strides = [1, 1]} : vector<400x16xf32> to vector<400x1xf32>
    %squeeze3A_71 = vector.shape_cast %slice3A_70 : vector<400x1xf32> to vector<400xf32>
    %broadcast_in_dim3A_72 = vector.shape_cast %squeeze3A_71 : vector<400xf32> to vector<400x1xf32>
    %mul3A_73 = vector.broadcast %broadcast_in_dim3A_72 : vector<400x1xf32> to vector<400x128xf32>
    %mul3A_74 = arith.mulf %get3A_1, %mul3A_73 : vector<400x128xf32>
    %convert_element_type3A_75 = arith.truncf %mul3A_74 : vector<400x128xf32> to vector<400x128xbf16>
    %get3A_76 = arith.constant 5 : index
    %get3A_77 = arith.constant 0 : index
    %get3A_78 = arith.constant 0 : index
    %get3A_79 = vector.load %arg3[%get3A_76, %get3A_77, %get3A_78] : memref<16x128x128xbf16, #tpu.memory_space<vmem>>, vector<1x128x128xbf16>
    %get3A_80 = vector.shape_cast %get3A_79 : vector<1x128x128xbf16> to vector<128x128xbf16>
    %dot_general3A_81 = arith.constant dense<0.000000e+00> : vector<400x128xf32>
    %dot_general3A_82 = tpu.matmul %convert_element_type3A_75, %get3A_80, %dot_general3A_81 {dimension_numbers = #tpu.dot_dimension_numbers<[1], [0], [0], [1], [0, 0, 1, 1], [], []>, transpose_lhs_hint = false} : vector<400x128xbf16>, vector<128x128xbf16>, vector<400x128xf32> -> vector<400x128xf32>
    %add3A_83 = arith.addf %add3A_69, %dot_general3A_82 : vector<400x128xf32>
    %slice3A_84 = vector.extract_strided_slice %get3A_4 {offsets = [0, 6], sizes = [400, 1], strides = [1, 1]} : vector<400x16xf32> to vector<400x1xf32>
    %squeeze3A_85 = vector.shape_cast %slice3A_84 : vector<400x1xf32> to vector<400xf32>
    %broadcast_in_dim3A_86 = vector.shape_cast %squeeze3A_85 : vector<400xf32> to vector<400x1xf32>
    %mul3A_87 = vector.broadcast %broadcast_in_dim3A_86 : vector<400x1xf32> to vector<400x128xf32>
    %mul3A_88 = arith.mulf %get3A_1, %mul3A_87 : vector<400x128xf32>
    %convert_element_type3A_89 = arith.truncf %mul3A_88 : vector<400x128xf32> to vector<400x128xbf16>
    %get3A_90 = arith.constant 6 : index
    %get3A_91 = arith.constant 0 : index
    %get3A_92 = arith.constant 0 : index
    %get3A_93 = vector.load %arg3[%get3A_90, %get3A_91, %get3A_92] : memref<16x128x128xbf16, #tpu.memory_space<vmem>>, vector<1x128x128xbf16>
    %get3A_94 = vector.shape_cast %get3A_93 : vector<1x128x128xbf16> to vector<128x128xbf16>
    %dot_general3A_95 = arith.constant dense<0.000000e+00> : vector<400x128xf32>
    %dot_general3A_96 = tpu.matmul %convert_element_type3A_89, %get3A_94, %dot_general3A_95 {dimension_numbers = #tpu.dot_dimension_numbers<[1], [0], [0], [1], [0, 0, 1, 1], [], []>, transpose_lhs_hint = false} : vector<400x128xbf16>, vector<128x128xbf16>, vector<400x128xf32> -> vector<400x128xf32>
    %add3A_97 = arith.addf %add3A_83, %dot_general3A_96 : vector<400x128xf32>
    %slice3A_98 = vector.extract_strided_slice %get3A_4 {offsets = [0, 7], sizes = [400, 1], strides = [1, 1]} : vector<400x16xf32> to vector<400x1xf32>
    %squeeze3A_99 = vector.shape_cast %slice3A_98 : vector<400x1xf32> to vector<400xf32>
    %broadcast_in_dim3A_100 = vector.shape_cast %squeeze3A_99 : vector<400xf32> to vector<400x1xf32>
    %mul3A_101 = vector.broadcast %broadcast_in_dim3A_100 : vector<400x1xf32> to vector<400x128xf32>
    %mul3A_102 = arith.mulf %get3A_1, %mul3A_101 : vector<400x128xf32>
    %convert_element_type3A_103 = arith.truncf %mul3A_102 : vector<400x128xf32> to vector<400x128xbf16>
    %get3A_104 = arith.constant 7 : index
    %get3A_105 = arith.constant 0 : index
    %get3A_106 = arith.constant 0 : index
    %get3A_107 = vector.load %arg3[%get3A_104, %get3A_105, %get3A_106] : memref<16x128x128xbf16, #tpu.memory_space<vmem>>, vector<1x128x128xbf16>
    %get3A_108 = vector.shape_cast %get3A_107 : vector<1x128x128xbf16> to vector<128x128xbf16>
    %dot_general3A_109 = arith.constant dense<0.000000e+00> : vector<400x128xf32>
    %dot_general3A_110 = tpu.matmul %convert_element_type3A_103, %get3A_108, %dot_general3A_109 {dimension_numbers = #tpu.dot_dimension_numbers<[1], [0], [0], [1], [0, 0, 1, 1], [], []>, transpose_lhs_hint = false} : vector<400x128xbf16>, vector<128x128xbf16>, vector<400x128xf32> -> vector<400x128xf32>
    %add3A_111 = arith.addf %add3A_97, %dot_general3A_110 : vector<400x128xf32>
    %slice3A_112 = vector.extract_strided_slice %get3A_4 {offsets = [0, 8], sizes = [400, 1], strides = [1, 1]} : vector<400x16xf32> to vector<400x1xf32>
    %squeeze3A_113 = vector.shape_cast %slice3A_112 : vector<400x1xf32> to vector<400xf32>
    %broadcast_in_dim3A_114 = vector.shape_cast %squeeze3A_113 : vector<400xf32> to vector<400x1xf32>
    %mul3A_115 = vector.broadcast %broadcast_in_dim3A_114 : vector<400x1xf32> to vector<400x128xf32>
    %mul3A_116 = arith.mulf %get3A_1, %mul3A_115 : vector<400x128xf32>
    %convert_element_type3A_117 = arith.truncf %mul3A_116 : vector<400x128xf32> to vector<400x128xbf16>
    %get3A_118 = arith.constant 8 : index
    %get3A_119 = arith.constant 0 : index
    %get3A_120 = arith.constant 0 : index
    %get3A_121 = vector.load %arg3[%get3A_118, %get3A_119, %get3A_120] : memref<16x128x128xbf16, #tpu.memory_space<vmem>>, vector<1x128x128xbf16>
    %get3A_122 = vector.shape_cast %get3A_121 : vector<1x128x128xbf16> to vector<128x128xbf16>
    %dot_general3A_123 = arith.constant dense<0.000000e+00> : vector<400x128xf32>
    %dot_general3A_124 = tpu.matmul %convert_element_type3A_117, %get3A_122, %dot_general3A_123 {dimension_numbers = #tpu.dot_dimension_numbers<[1], [0], [0], [1], [0, 0, 1, 1], [], []>, transpose_lhs_hint = false} : vector<400x128xbf16>, vector<128x128xbf16>, vector<400x128xf32> -> vector<400x128xf32>
    %add3A_125 = arith.addf %add3A_111, %dot_general3A_124 : vector<400x128xf32>
    %slice3A_126 = vector.extract_strided_slice %get3A_4 {offsets = [0, 9], sizes = [400, 1], strides = [1, 1]} : vector<400x16xf32> to vector<400x1xf32>
    %squeeze3A_127 = vector.shape_cast %slice3A_126 : vector<400x1xf32> to vector<400xf32>
    %broadcast_in_dim3A_128 = vector.shape_cast %squeeze3A_127 : vector<400xf32> to vector<400x1xf32>
    %mul3A_129 = vector.broadcast %broadcast_in_dim3A_128 : vector<400x1xf32> to vector<400x128xf32>
    %mul3A_130 = arith.mulf %get3A_1, %mul3A_129 : vector<400x128xf32>
    %convert_element_type3A_131 = arith.truncf %mul3A_130 : vector<400x128xf32> to vector<400x128xbf16>
    %get3A_132 = arith.constant 9 : index
    %get3A_133 = arith.constant 0 : index
    %get3A_134 = arith.constant 0 : index
    %get3A_135 = vector.load %arg3[%get3A_132, %get3A_133, %get3A_134] : memref<16x128x128xbf16, #tpu.memory_space<vmem>>, vector<1x128x128xbf16>
    %get3A_136 = vector.shape_cast %get3A_135 : vector<1x128x128xbf16> to vector<128x128xbf16>
    %dot_general3A_137 = arith.constant dense<0.000000e+00> : vector<400x128xf32>
    %dot_general3A_138 = tpu.matmul %convert_element_type3A_131, %get3A_136, %dot_general3A_137 {dimension_numbers = #tpu.dot_dimension_numbers<[1], [0], [0], [1], [0, 0, 1, 1], [], []>, transpose_lhs_hint = false} : vector<400x128xbf16>, vector<128x128xbf16>, vector<400x128xf32> -> vector<400x128xf32>
    %add3A_139 = arith.addf %add3A_125, %dot_general3A_138 : vector<400x128xf32>
    %slice3A_140 = vector.extract_strided_slice %get3A_4 {offsets = [0, 10], sizes = [400, 1], strides = [1, 1]} : vector<400x16xf32> to vector<400x1xf32>
    %squeeze3A_141 = vector.shape_cast %slice3A_140 : vector<400x1xf32> to vector<400xf32>
    %broadcast_in_dim3A_142 = vector.shape_cast %squeeze3A_141 : vector<400xf32> to vector<400x1xf32>
    %mul3A_143 = vector.broadcast %broadcast_in_dim3A_142 : vector<400x1xf32> to vector<400x128xf32>
    %mul3A_144 = arith.mulf %get3A_1, %mul3A_143 : vector<400x128xf32>
    %convert_element_type3A_145 = arith.truncf %mul3A_144 : vector<400x128xf32> to vector<400x128xbf16>
    %get3A_146 = arith.constant 10 : index
    %get3A_147 = arith.constant 0 : index
    %get3A_148 = arith.constant 0 : index
    %get3A_149 = vector.load %arg3[%get3A_146, %get3A_147, %get3A_148] : memref<16x128x128xbf16, #tpu.memory_space<vmem>>, vector<1x128x128xbf16>
    %get3A_150 = vector.shape_cast %get3A_149 : vector<1x128x128xbf16> to vector<128x128xbf16>
    %dot_general3A_151 = arith.constant dense<0.000000e+00> : vector<400x128xf32>
    %dot_general3A_152 = tpu.matmul %convert_element_type3A_145, %get3A_150, %dot_general3A_151 {dimension_numbers = #tpu.dot_dimension_numbers<[1], [0], [0], [1], [0, 0, 1, 1], [], []>, transpose_lhs_hint = false} : vector<400x128xbf16>, vector<128x128xbf16>, vector<400x128xf32> -> vector<400x128xf32>
    %add3A_153 = arith.addf %add3A_139, %dot_general3A_152 : vector<400x128xf32>
    %slice3A_154 = vector.extract_strided_slice %get3A_4 {offsets = [0, 11], sizes = [400, 1], strides = [1, 1]} : vector<400x16xf32> to vector<400x1xf32>
    %squeeze3A_155 = vector.shape_cast %slice3A_154 : vector<400x1xf32> to vector<400xf32>
    %broadcast_in_dim3A_156 = vector.shape_cast %squeeze3A_155 : vector<400xf32> to vector<400x1xf32>
    %mul3A_157 = vector.broadcast %broadcast_in_dim3A_156 : vector<400x1xf32> to vector<400x128xf32>
    %mul3A_158 = arith.mulf %get3A_1, %mul3A_157 : vector<400x128xf32>
    %convert_element_type3A_159 = arith.truncf %mul3A_158 : vector<400x128xf32> to vector<400x128xbf16>
    %get3A_160 = arith.constant 11 : index
    %get3A_161 = arith.constant 0 : index
    %get3A_162 = arith.constant 0 : index
    %get3A_163 = vector.load %arg3[%get3A_160, %get3A_161, %get3A_162] : memref<16x128x128xbf16, #tpu.memory_space<vmem>>, vector<1x128x128xbf16>
    %get3A_164 = vector.shape_cast %get3A_163 : vector<1x128x128xbf16> to vector<128x128xbf16>
    %dot_general3A_165 = arith.constant dense<0.000000e+00> : vector<400x128xf32>
    %dot_general3A_166 = tpu.matmul %convert_element_type3A_159, %get3A_164, %dot_general3A_165 {dimension_numbers = #tpu.dot_dimension_numbers<[1], [0], [0], [1], [0, 0, 1, 1], [], []>, transpose_lhs_hint = false} : vector<400x128xbf16>, vector<128x128xbf16>, vector<400x128xf32> -> vector<400x128xf32>
    %add3A_167 = arith.addf %add3A_153, %dot_general3A_166 : vector<400x128xf32>
    %slice3A_168 = vector.extract_strided_slice %get3A_4 {offsets = [0, 12], sizes = [400, 1], strides = [1, 1]} : vector<400x16xf32> to vector<400x1xf32>
    %squeeze3A_169 = vector.shape_cast %slice3A_168 : vector<400x1xf32> to vector<400xf32>
    %broadcast_in_dim3A_170 = vector.shape_cast %squeeze3A_169 : vector<400xf32> to vector<400x1xf32>
    %mul3A_171 = vector.broadcast %broadcast_in_dim3A_170 : vector<400x1xf32> to vector<400x128xf32>
    %mul3A_172 = arith.mulf %get3A_1, %mul3A_171 : vector<400x128xf32>
    %convert_element_type3A_173 = arith.truncf %mul3A_172 : vector<400x128xf32> to vector<400x128xbf16>
    %get3A_174 = arith.constant 12 : index
    %get3A_175 = arith.constant 0 : index
    %get3A_176 = arith.constant 0 : index
    %get3A_177 = vector.load %arg3[%get3A_174, %get3A_175, %get3A_176] : memref<16x128x128xbf16, #tpu.memory_space<vmem>>, vector<1x128x128xbf16>
    %get3A_178 = vector.shape_cast %get3A_177 : vector<1x128x128xbf16> to vector<128x128xbf16>
    %dot_general3A_179 = arith.constant dense<0.000000e+00> : vector<400x128xf32>
    %dot_general3A_180 = tpu.matmul %convert_element_type3A_173, %get3A_178, %dot_general3A_179 {dimension_numbers = #tpu.dot_dimension_numbers<[1], [0], [0], [1], [0, 0, 1, 1], [], []>, transpose_lhs_hint = false} : vector<400x128xbf16>, vector<128x128xbf16>, vector<400x128xf32> -> vector<400x128xf32>
    %add3A_181 = arith.addf %add3A_167, %dot_general3A_180 : vector<400x128xf32>
    %slice3A_182 = vector.extract_strided_slice %get3A_4 {offsets = [0, 13], sizes = [400, 1], strides = [1, 1]} : vector<400x16xf32> to vector<400x1xf32>
    %squeeze3A_183 = vector.shape_cast %slice3A_182 : vector<400x1xf32> to vector<400xf32>
    %broadcast_in_dim3A_184 = vector.shape_cast %squeeze3A_183 : vector<400xf32> to vector<400x1xf32>
    %mul3A_185 = vector.broadcast %broadcast_in_dim3A_184 : vector<400x1xf32> to vector<400x128xf32>
    %mul3A_186 = arith.mulf %get3A_1, %mul3A_185 : vector<400x128xf32>
    %convert_element_type3A_187 = arith.truncf %mul3A_186 : vector<400x128xf32> to vector<400x128xbf16>
    %get3A_188 = arith.constant 13 : index
    %get3A_189 = arith.constant 0 : index
    %get3A_190 = arith.constant 0 : index
    %get3A_191 = vector.load %arg3[%get3A_188, %get3A_189, %get3A_190] : memref<16x128x128xbf16, #tpu.memory_space<vmem>>, vector<1x128x128xbf16>
    %get3A_192 = vector.shape_cast %get3A_191 : vector<1x128x128xbf16> to vector<128x128xbf16>
    %dot_general3A_193 = arith.constant dense<0.000000e+00> : vector<400x128xf32>
    %dot_general3A_194 = tpu.matmul %convert_element_type3A_187, %get3A_192, %dot_general3A_193 {dimension_numbers = #tpu.dot_dimension_numbers<[1], [0], [0], [1], [0, 0, 1, 1], [], []>, transpose_lhs_hint = false} : vector<400x128xbf16>, vector<128x128xbf16>, vector<400x128xf32> -> vector<400x128xf32>
    %add3A_195 = arith.addf %add3A_181, %dot_general3A_194 : vector<400x128xf32>
    %slice3A_196 = vector.extract_strided_slice %get3A_4 {offsets = [0, 14], sizes = [400, 1], strides = [1, 1]} : vector<400x16xf32> to vector<400x1xf32>
    %squeeze3A_197 = vector.shape_cast %slice3A_196 : vector<400x1xf32> to vector<400xf32>
    %broadcast_in_dim3A_198 = vector.shape_cast %squeeze3A_197 : vector<400xf32> to vector<400x1xf32>
    %mul3A_199 = vector.broadcast %broadcast_in_dim3A_198 : vector<400x1xf32> to vector<400x128xf32>
    %mul3A_200 = arith.mulf %get3A_1, %mul3A_199 : vector<400x128xf32>
    %convert_element_type3A_201 = arith.truncf %mul3A_200 : vector<400x128xf32> to vector<400x128xbf16>
    %get3A_202 = arith.constant 14 : index
    %get3A_203 = arith.constant 0 : index
    %get3A_204 = arith.constant 0 : index
    %get3A_205 = vector.load %arg3[%get3A_202, %get3A_203, %get3A_204] : memref<16x128x128xbf16, #tpu.memory_space<vmem>>, vector<1x128x128xbf16>
    %get3A_206 = vector.shape_cast %get3A_205 : vector<1x128x128xbf16> to vector<128x128xbf16>
    %dot_general3A_207 = arith.constant dense<0.000000e+00> : vector<400x128xf32>
    %dot_general3A_208 = tpu.matmul %convert_element_type3A_201, %get3A_206, %dot_general3A_207 {dimension_numbers = #tpu.dot_dimension_numbers<[1], [0], [0], [1], [0, 0, 1, 1], [], []>, transpose_lhs_hint = false} : vector<400x128xbf16>, vector<128x128xbf16>, vector<400x128xf32> -> vector<400x128xf32>
    %add3A_209 = arith.addf %add3A_195, %dot_general3A_208 : vector<400x128xf32>
    %slice3A_210 = vector.extract_strided_slice %get3A_4 {offsets = [0, 15], sizes = [400, 1], strides = [1, 1]} : vector<400x16xf32> to vector<400x1xf32>
    %squeeze3A_211 = vector.shape_cast %slice3A_210 : vector<400x1xf32> to vector<400xf32>
    %broadcast_in_dim3A_212 = vector.shape_cast %squeeze3A_211 : vector<400xf32> to vector<400x1xf32>
    %mul3A_213 = vector.broadcast %broadcast_in_dim3A_212 : vector<400x1xf32> to vector<400x128xf32>
    %mul3A_214 = arith.mulf %get3A_1, %mul3A_213 : vector<400x128xf32>
    %convert_element_type3A_215 = arith.truncf %mul3A_214 : vector<400x128xf32> to vector<400x128xbf16>
    %get3A_216 = arith.constant 15 : index
    %get3A_217 = arith.constant 0 : index
    %get3A_218 = arith.constant 0 : index
    %get3A_219 = vector.load %arg3[%get3A_216, %get3A_217, %get3A_218] : memref<16x128x128xbf16, #tpu.memory_space<vmem>>, vector<1x128x128xbf16>
    %get3A_220 = vector.shape_cast %get3A_219 : vector<1x128x128xbf16> to vector<128x128xbf16>
    %dot_general3A_221 = arith.constant dense<0.000000e+00> : vector<400x128xf32>
    %dot_general3A_222 = tpu.matmul %convert_element_type3A_215, %get3A_220, %dot_general3A_221 {dimension_numbers = #tpu.dot_dimension_numbers<[1], [0], [0], [1], [0, 0, 1, 1], [], []>, transpose_lhs_hint = false} : vector<400x128xbf16>, vector<128x128xbf16>, vector<400x128xf32> -> vector<400x128xf32>
    %add3A_223 = arith.addf %add3A_209, %dot_general3A_222 : vector<400x128xf32>
    %swap3A = arith.constant 0 : index
    %swap3A_224 = arith.constant 0 : index
    %swap3A_225 = vector.load %arg4[%swap3A, %swap3A_224] : memref<400x128xf32, #tpu.memory_space<vmem>>, vector<400x128xf32>
    tpu.vector_store %arg4[%swap3A, %swap3A_224], %add3A_223 {strides = array<i32>} : memref<400x128xf32, #tpu.memory_space<vmem>>, vector<400x128xf32>,
    return
  }
  func.func @transform_0(%arg0: i32) -> (i32, i32) {
    %c0_i32 = arith.constant 0 : i32
    %c0_i32_0 = arith.constant 0 : i32
    return %arg0, %c0_i32 : i32, i32
  }
  func.func @transform_1(%arg0: i32) -> (i32, i32) {
    %c0_i32 = arith.constant 0 : i32
    %c0_i32_0 = arith.constant 0 : i32
    return %arg0, %c0_i32 : i32, i32
  }
  func.func @transform_2(%arg0: i32) -> (i32, i32, i32) {
    %c0_i32 = arith.constant 0 : i32
    %c0_i32_0 = arith.constant 0 : i32
    %c0_i32_1 = arith.constant 0 : i32
    %c0_i32_2 = arith.constant 0 : i32
    return %c0_i32, %c0_i32_0, %c0_i32_1 : i32, i32, i32
  }
  func.func @transform_3(%arg0: i32) -> (i32, i32) {
    %c0_i32 = arith.constant 0 : i32
    %c0_i32_0 = arith.constant 0 : i32
    return %arg0, %c0_i32 : i32, i32
  }
}

module attributes {stable_mosaic.version = 14 : i64} {
  func.func @_combine_body(%arg0: i32, %arg1: memref<2x2000x128xf32, #tpu.memory_space<vmem>>, %arg2: memref<2000x128xf32, #tpu.memory_space<vmem>>, %arg3: memref<128x128xf32, #tpu.memory_space<vmem>>, %arg4: memref<2000x128xf32, #tpu.memory_space<vmem>>) attributes {dimension_semantics = [#tpu.dimension_semantics<arbitrary>], iteration_bounds = array<i64: 5>, scalar_prefetch = 0 : i64, scratch_operands = 0 : i64, tpu.core_type = #tpu.core_type<tc>, window_params = [{transform_indices = @transform_0, window_bounds = array<i64: 2, 2000, 128>}, {transform_indices = @transform_1, window_bounds = array<i64: 2000, 128>}, {pipeline_mode = #tpu.pipeline_mode<synchronous>, transform_indices = @transform_2, window_bounds = array<i64: 128, 128>}, {transform_indices = @transform_3, window_bounds = array<i64: 2000, 128>}]} {
    %get3A = arith.constant 0 : index
    %get3A_0 = arith.constant 0 : index
    %get3A_1 = arith.constant 0 : index
    %get3A_2 = vector.load %arg1[%get3A, %get3A_0, %get3A_1] : memref<2x2000x128xf32, #tpu.memory_space<vmem>>, vector<1x2000x128xf32>
    %get3A_3 = vector.shape_cast %get3A_2 : vector<1x2000x128xf32> to vector<2000x128xf32>
    %get3A_4 = arith.constant 1 : index
    %get3A_5 = arith.constant 0 : index
    %get3A_6 = arith.constant 0 : index
    %get3A_7 = vector.load %arg1[%get3A_4, %get3A_5, %get3A_6] : memref<2x2000x128xf32, #tpu.memory_space<vmem>>, vector<1x2000x128xf32>
    %get3A_8 = vector.shape_cast %get3A_7 : vector<1x2000x128xf32> to vector<2000x128xf32>
    %add3A = arith.addf %get3A_3, %get3A_8 : vector<2000x128xf32>
    %get3A_9 = arith.constant 0 : index
    %get3A_10 = arith.constant 0 : index
    %get3A_11 = vector.load %arg2[%get3A_9, %get3A_10] : memref<2000x128xf32, #tpu.memory_space<vmem>>, vector<2000x128xf32>
    %get3A_12 = arith.constant 0 : index
    %get3A_13 = arith.constant 0 : index
    %get3A_14 = vector.load %arg3[%get3A_12, %get3A_13] : memref<128x128xf32, #tpu.memory_space<vmem>>, vector<128x128xf32>
    %dot_general3A = arith.constant dense<0.000000e+00> : vector<2000x128xf32>
    %dot_general3A_15 = tpu.matmul %add3A, %get3A_14, %dot_general3A {dimension_numbers = #tpu.dot_dimension_numbers<[1], [0], [0], [1], [0, 0, 1, 1], [], []>, transpose_lhs_hint = false} : vector<2000x128xf32>, vector<128x128xf32>, vector<2000x128xf32> -> vector<2000x128xf32>
    %add3A_16 = arith.addf %get3A_11, %dot_general3A_15 : vector<2000x128xf32>
    %swap3A = arith.constant 0 : index
    %swap3A_17 = arith.constant 0 : index
    %swap3A_18 = vector.load %arg4[%swap3A, %swap3A_17] : memref<2000x128xf32, #tpu.memory_space<vmem>>, vector<2000x128xf32>
    tpu.vector_store %arg4[%swap3A, %swap3A_17], %add3A_16 {strides = array<i32>} : memref<2000x128xf32, #tpu.memory_space<vmem>>, vector<2000x128xf32>,
    return
  }
  func.func @transform_0(%arg0: i32) -> (i32, i32, i32) {
    %c0_i32 = arith.constant 0 : i32
    %c0_i32_0 = arith.constant 0 : i32
    %c0_i32_1 = arith.constant 0 : i32
    return %c0_i32, %arg0, %c0_i32_0 : i32, i32, i32
  }
  func.func @transform_1(%arg0: i32) -> (i32, i32) {
    %c0_i32 = arith.constant 0 : i32
    %c0_i32_0 = arith.constant 0 : i32
    return %arg0, %c0_i32 : i32, i32
  }
  func.func @transform_2(%arg0: i32) -> (i32, i32) {
    %c0_i32 = arith.constant 0 : i32
    %c0_i32_0 = arith.constant 0 : i32
    %c0_i32_1 = arith.constant 0 : i32
    return %c0_i32, %c0_i32_0 : i32, i32
  }
  func.func @transform_3(%arg0: i32) -> (i32, i32) {
    %c0_i32 = arith.constant 0 : i32
    %c0_i32_0 = arith.constant 0 : i32
    return %arg0, %c0_i32 : i32, i32
  }
}

</mosaic_0001>

<sc_bundles>
// kernel: kernel.5.cloned.1.call-start
scs
__scs_entry_jumppad:
0x0: {  	(pc) =	sbr.rel $0x88, $3  }
0x1: {  	(tag) =	ssettag $0x0;
	lr =	simm.s32 $0x1  }
0x2: {  	[smem:$0x3F9B] =	sst lr;
	_ =	strace $0xD0000000  }
0x3: {  	_ = 	snop  }
0x4: {  	_ = 	snop  }
0x5: {  	_ = 	snop  }
0x6: {  	_ = 	snop  }
0x7: {  	_ = 	snop  }
__scs_overlays_trampoline_lowered:
0x8: {  	[smem:$0x3FAA] =	sst s0  }
0x9: {  	[smem:$0x3FAB] =	sst s1  }
0xa: {  	[smem:$0x3FAC] =	sst s2  }
0xb: {  	[smem:$0x3FAD] =	sst s3  }
0xc: {  	[smem:$0x3FAE] =	sst s4  }
0xd: {  	[smem:$0x3FAF] =	sst s5  }
0xe: {  	[smem:$0x3FB0] =	sst s6  }
0xf: {  	[smem:$0x3FB1] =	sst s7  }
0x10: {  	[smem:$0x3FB2] =	sst s8  }
0x11: {  	[smem:$0x3FB3] =	sst s9;
	s0 =	simm.s32 @!p0 $0x0  }
0x12: {  	s1 =	sld [smem:$0x3F99];
	s0 =	simm.s32 @p0 $0x1  }
0x13: {  	[smem:$0x3FB4] =	sst s0;
	s0 =	simm.s32 @!p1 $0x0  }
0x14: {  	s2 =	sld [smem:$0x3F98];
	s0 =	simm.s32 @p1 $0x1  }
0x15: {  	[smem:$0x3FB5] =	sst s0;
	s0 =	simm.s32 @!p2 $0x0  }
0x16: {  	s3 =	sld [smem:$0x3FDB];
	s0 =	simm.s32 @p2 $0x1  }
0x17: {  	s4 =	simm.s32 $0x1BF5;
	[smem:$0x3FB7] =	sst s0  }
0x18: {  	s0 =	sld [smem:$0x3F9A];
	_ =	swait.ge [sflag:s4], $0x0  }
0x19: {  	s7 =	sld [smem:$0x3F9B]  }
0x1a: {  	s8 =	sadd.s32 $0xFFFFE003, lr  }
0x1b: {  	s9 =	sadd.s32 $0xFFFFFEF7, lr;
	s5 =	simm.s32 $0xFFFFFFFF;
	p2 =	slt.u32 s8, $0xFFFFF086  }
0x1c: {  	p1 =	slt.u32 s9, $0xF7A;
	s5 =	simm.s32 @!p2 $0x0  }
0x1d: {  	s5 =	simm.s32 @p1 $0x1;
	p0 =	seq.s32 s7, s2  }
0x1e: {  	s7 =	smul.u32 @!p0 $0xF7A, s2;
	p2 =	seq.s32 @!p0 s5, $0x0  }
0x1f: {  	s9 =	smul.u32 $0xF7A, s1;
	s8 =	simm.s32 @!p0 $0x1BF5;
	p2 =	por !p2, p0  }
0x20: {  	[sflag:s8] =	ssyncset.s32 @!p0 $0xFFFFF086;
	s6 =	sadd.s32 @!p0 s3, s7;
	s7 =	simm.s32 @!p0 $0x108  }
0x21: {  	s3 =	sadd.s32 s3, s9;
	s6 =	sadd.s32 @!p0 $0x88, s6;
	s7 =	simm.s32 @p2 $0x1082  }
0x22: {  	[simem:s7], [sflag:s8] =	dma.local @!p0 [hbm:s6], $0xF7A  }
0x23: {  	s9 =	sor.u32 $0xD0000000, s2;
	s6 =	simm.s32 $0x108;
	_ =	swait.ge @!p0 [sflag:s8], $0x0  }
0x24: {  	s3 =	sadd.s32 $0x88, s3;
	s6 =	simm.s32 @!p1 $0x1082;
	[sflag:s4] =	ssyncset.s32 $0xFFFFF086  }
0x25: {  	[simem:s6], [sflag:s4] =	dma.local [hbm:s3], $0xF7A  }
0x26: {  	[smem:$0x3F9B] =	sst s1;
	(tag) =	ssettag s2;
	_ =	strace s9  }
0x27: {  	s1 =	sld [smem:$0x3FAB]  }
0x28: {  	s2 =	sld [smem:$0x3FAC]  }
0x29: {  	s4 =	sld [smem:$0x3FAE]  }
0x2a: {  	p0 =	seq.s32 s5, $0x0;
	s5 =	sld [smem:$0x3FAF]  }
0x2b: {  	s6 =	sld [smem:$0x3FB0]  }
0x2c: {  	s7 =	sld [smem:$0x3FB1]  }
0x2d: {  	s3 =	simm.s32 $0x108;
	s8 =	sld [smem:$0x3FB2]  }
0x2e: {  	s3 =	simm.s32 @!p0 $0x1082;
	s9 =	sld [smem:$0x3FB3]  }
0x2f: {  	lr =	sadd.s32 s0, s3;
	s0 =	sld [smem:$0x3FAA]  }
0x30: {  	s3 =	sld [smem:$0x3FAD]  }
0x31: {  	[smem:$0x3FB6] =	sst s10  }
0x32: {  	s10 =	sld [smem:$0x3FB4];
	_ =	sdelay $0x3  }
0x33: {  	p0 =	seq.s32 s10, $0x1;
	s10 =	sld [smem:$0x3FB6];
	_ =	sdelay $0x3  }
0x34: {  	[smem:$0x3FB6] =	sst s10  }
0x35: {  	s10 =	sld [smem:$0x3FB5];
	_ =	sdelay $0x3  }
0x36: {  	p1 =	seq.s32 s10, $0x1;
	s10 =	sld [smem:$0x3FB6];
	_ =	sdelay $0x3  }
0x37: {  	[smem:$0x3FB6] =	sst s10  }
0x38: {  	s10 =	sld [smem:$0x3FB7]  }
0x39: {  	_ = 	snop;
	(pc) =	sbr.ind lr, $3  }
0x3a: {  	_ = 	snop  }
0x3b: {  	_ = 	snop  }
0x3c: {  	p2 =	seq.s32 s10, $0x1;
	s10 =	sld [smem:$0x3FB6]  }
0x3d: {  	_ =	shalt  }
0x3e: {  	_ =	shalt  }
0x3f: {  	_ =	shalt  }
0x40: {  	_ =	shalt  }
0x41: {  	_ =	shalt  }
0x42: {  	_ =	shalt  }
0x43: {  	_ =	shalt  }
0x44: {  	_ =	shalt  }
0x45: {  	_ =	shalt  }
0x46: {  	_ =	shalt  }
0x47: {  	_ =	shalt  }
0x48: {  	_ =	shalt  }
0x49: {  	_ =	shalt  }
0x4a: {  	_ =	shalt  }
0x4b: {  	_ =	shalt  }
0x4c: {  	_ =	shalt  }
0x4d: {  	_ =	shalt  }
0x4e: {  	_ =	shalt  }
0x4f: {  	_ =	shalt  }
0x50: {  	_ =	shalt  }
0x51: {  	_ =	shalt  }
0x52: {  	_ =	shalt  }
0x53: {  	_ =	shalt  }
0x54: {  	_ =	shalt  }
0x55: {  	_ =	shalt  }
0x56: {  	_ =	shalt  }
0x57: {  	_ =	shalt  }
0x58: {  	_ =	shalt  }
0x59: {  	_ =	shalt  }
0x5a: {  	_ =	shalt  }
0x5b: {  	_ =	shalt  }
0x5c: {  	_ =	shalt  }
0x5d: {  	_ =	shalt  }
0x5e: {  	_ =	shalt  }
0x5f: {  	_ =	shalt  }
0x60: {  	_ =	shalt  }
0x61: {  	_ =	shalt  }
0x62: {  	_ =	shalt  }
0x63: {  	_ =	shalt  }
0x64: {  	_ =	shalt  }
0x65: {  	_ =	shalt  }
0x66: {  	_ =	shalt  }
0x67: {  	_ =	shalt  }
0x68: {  	_ =	shalt  }
0x69: {  	_ =	shalt  }
0x6a: {  	_ =	shalt  }
0x6b: {  	_ =	shalt  }
0x6c: {  	_ =	shalt  }
0x6d: {  	_ =	shalt  }
0x6e: {  	_ =	shalt  }
0x6f: {  	_ =	shalt  }
0x70: {  	_ =	shalt  }
0x71: {  	_ =	shalt  }
0x72: {  	_ =	shalt  }
0x73: {  	_ =	shalt  }
0x74: {  	_ =	shalt  }
0x75: {  	_ =	shalt  }
0x76: {  	_ =	shalt  }
0x77: {  	_ =	shalt  }
0x78: {  	_ =	shalt  }
0x79: {  	_ =	shalt  }
0x7a: {  	_ =	shalt  }
0x7b: {  	_ =	shalt  }
0x7c: {  	_ =	shalt  }
0x7d: {  	_ =	shalt  }
0x7e: {  	_ =	shalt  }
0x7f: {  	_ =	shalt  }
0x80: {  	_ =	shalt  }
0x81: {  	_ =	shalt  }
0x82: {  	_ =	shalt  }
0x83: {  	_ =	shalt  }
0x84: {  	_ =	shalt  }
0x85: {  	_ =	shalt  }
0x86: {  	_ =	shalt  }
0x87: {  	_ =	shalt  }
.Lfunc_end0:
.L_simem_size_0:
called_computation_lowered:
.L_overlay_start_0:
0x88: {  	s2 =	sld [smem:$0x3FD9]  }
0x89: {  	s3 =	sld [smem:$0x3FFE];
	_ =	sdelay $0x1  }
0x8a: {  	s1 =	srdreg.scid  }
0x8b: {  	s0 =	sand.u32 $0x1, s1  }
0x8c: {  	s17 =	sshll.u32 s0, $0xA;
	s2 =	sadd.s32 s3, s2  }
0x8d: {  	s2 =	sadd.s32 s2, s17  }
0x8e: {  	[smem:$0x3FC2] =	sst s2  }
0x8f: {  	_ = 	snop  }
0x90: {  	s2 =	sld [smem:$0x3FC7]  }
0x91: {  	s18 =	sld [smem:$0x3FC6];
	(tm) =	ssettm $0x1  }
0x92: {  	s4 =	sld [smem:$0x3FFB];
	_ =	sdelay $0x3  }
0x93: {  	_ =	strace s4  }
0x94: {  	s4 =	sld [smem:$0x3FFC];
	_ =	sdelay $0x3  }
0x95: {  	_ =	strace s4  }
0x96: {  	s4 =	sld [smem:$0x3FFD];
	_ =	sdelay $0x3  }
0x97: {  	_ =	strace s4  }
0x98: {  	_ =	strace $0x8FFFFFFF  }
0x99: {  	s19 =	sld [smem:$0x3FDB];
	_ =	sdelay $0x1  }
0x9a: {  	s5 =	simm.s32 $_scs_section_size  }
0x9b: {  	s6 =	simm.s32 $_size__tile_overlayer_lowered;
	s7 =	simm.s32 $_tile_overlayer_lowered  }
0x9c: {  	s22 =	simm.s32 $0x1BFF;
	s21 =	sshll.u32 s7, $0x1;
	s4 =	sadd.s32 s5, s19  }
0x9d: {  	s8 =	simm.s32 $0x0;
	s20 =	sshll.u32 s6, $0x1;
	s6 =	sadd.s32 s21, s4  }
0x9e: {  	[timem:s8], [sflag:s22] =	dma.local [hbm:s6], s20  }
0x9f: {  	_ =	swait.ge [sflag:s22], s20  }
0xa0: {  	s5 =	ssub.s32 $0x0, s20;
	[sflag:s22] =	ssyncset.done $0x0  }
0xa1: {  	[sflag:s22] =	ssyncadd.s32 s5;
	_ =	sdelay $0x1  }
0xa2: {  	s23 =	simm.s32 $0x1B8B  }
0xa3: {  	_ =	swait.ge [sflag:s23], $0x1  }
0xa4: {  	[sflag:s23] =	ssyncset.done $0x0  }
0xa5: {  	s25 =	simm.s32 $0x1B8E;
	s24 =	sld [smem:$0x3FFE];
	[sflag:s23] =	ssyncadd.s32 $0xFFFFFFFF  }
0xa6: {  	s26 =	simm.s32 $execute0_lowered;
	[smem:$0x3FD2] =	sst s25  }
0xa7: {  	s6 =	sshll.u32 s26, $0x1;
	_ =	strace $0x80000046;
	[dreg:$0x1] =	wrdreg $0xFFFFFFFF  }
0xa8: {  	s28 =	simm.s32 $_size_execute0_lowered;
	s4 =	sadd.s32 s4, s6;
	[dreg:$0x0] =	wrdreg $0x0  }
0xa9: {  	s6 =	sshll.u32 s28, $0x1;
	[dreg:$0x2] =	wrdreg s4  }
0xaa: {  	[dreg:$0x3] =	wrdreg s6  }
0xab: {  	[dreg:$0x4] =	wrdreg $0xC0  }
0xac: {  	_ =	task [dreg:s8], $0x5FFFF  }
0xad: {  	[dreg:$0x1] =	wrdreg $0xFFFFFFFF  }
0xae: {  	[dreg:$0x0] =	wrdreg $0x60  }
0xaf: {  	[dreg:$0x2] =	wrdreg s2  }
0xb0: {  	[dreg:$0x3] =	wrdreg s18  }
0xb1: {  	[dreg:$0x4] =	wrdreg s24  }
0xb2: {  	[dreg:$0x5] =	wrdreg $0x0  }
0xb3: {  	[dreg:$0x6] =	wrdreg $0x9  }
0xb4: {  	_ =	task.clear_ibuf [dreg:s8], $0x7FFFF;
	_ =	strace $0x90000046  }
0xb5: {  	s29 =	simm.s32 $0x9;
	_ =	strace $0x80000048  }
0xb6: {  	_ =	swait.ge [sflag:s29], $0x1  }
0xb7: {  	[sflag:s29] =	ssyncadd.s32 $0xFFFFFFFF  }
0xb8: {  	_ =	strace $0x90000048  }
0xb9: {  	_ =	sfence  }
0xba: {  	s30 =	sld [smem:$0x0];
	_ =	sdelay $0x2  }
0xbb: {  	s31 =	sshll.u32 s1, $0xD;
	s1 =	sshrl.u32 s1, $0x2  }
0xbc: {  	s3 =	sand.u32 $0x4000, s31;
	s1 =	sadd.s32 s1, s30  }
0xbd: {  	s0 =	sor.u32 s3, s0;
	s1 =	sshll.u32 s1, $0x11  }
0xbe: {  	s0 =	sor.u32 s1, s0  }
0xbf: {  	s0 =	sadd.s32 $0x8F2B, s0  }
0xc0: {  	[sflag:s0] =	ssyncadd.remote.s32 $0x1  }
0xc1: {  	_ =	sfence.sel $0xFFFF  }
0xc2: {  	[dreg:$0x0] =	wrdreg $0xFFFFFFFF;
	(pc) =	sbr.abs _section_cstart, $3  }
0xc3: {  	[dreg:$0x1] =	wrdreg $0xFFFFFFFF  }
0xc4: {  	_ =	task.clear_ibuf [dreg:s8], $0x2FFFF;
	_ =	strace $0x9FFFFFFF  }
0xc5: {  	(tm) =	ssettm $0x7FFFFFFF  }
tec
execute0_lowered:
.L_overlay_start_1:
0x0: {  	(tag) =	ssettag $0x1  }
0x1: {  	s0 =	rddreg [dreg:$0x0]  }
0x2: {  	s1 =	rddreg [dreg:$0x1]  }
0x3: {  	s4 =	rddreg [dreg:$0x2]  }
0x4: {  	s2 =	rddreg [dreg:$0x3];
	s5 =	srdreg.scid  }
0x5: {  	s18 =	stileid.u32;
	s3 =	simm.s32 $0x0;
	s28 =	simm.s32 $0x7  }
0x6: {  	s29 =	simm.s32 $0x1;
	s30 =	simm.s32 $0x80;
	s31 =	simm.s32 $0x13980  }
0x7: {  	s5 =	sand.u32 $0x1, s5;
	s6 =	sshll.u32 s18, $0x1;
	s16 =	smul.u32 $0x4E000, s18  }
0x8: {  	[smem:$0x7FF] =	sst s3;
	s4 =	sadd.s32 $0xE00, s4;
	s19 =	smul.u32 $0x138800, s5  }
0x9: {  	s6 =	sor.u32 s5, s6;
	s8 =	ssub.s32 $0x2, s5;
	s5 =	smul.u32 $0x4E, s5  }
0xa: {  	s11 =	sadd.s32 $0x10, s1;
	p0 =	seq.s32 s18, $0xF;
	s7 =	smul.u32 $0x9C0, s6  }
0xb: {  	p1 =	sgt.u32 s18, $0x1;
	_ =	strace $0x80000047;
	s9 =	smul.u32 $0x2700, s6  }
0xc: {  	s10 =	sshrl.u32 s8, $0x1;
	s12 =	smul.u32 $0x27000, s6;
	s6 =	sshll.u32 s6, $0x7  }
0xd: {  	s8 =	ssub.s32 s8, s10;
	s10 =	sshrl.u32 s16, $0x2;
	s20 =	sshrl.u32 s19, $0x3  }
0xe: {  	s6 =	sor.u32 $0x4E000, s6;
	s16 =	sadd.s32 $0x124800, s2;
	s7 =	sadd.s32 s7, s11  }
0xf: {  	s13 =	sor.u32 $0x80, s9;
	s14 =	sadd.s32 s0, s12;
	s21 =	sshrl.u32 s6, $0x2  }
0x10: {  	s6 =	sshll.u32 s6, $0x4;
	s24 =	smax.u32 s8, $0x1;
	[dreg:$0x5] =	wrdreg s7  }
0x11: {  	s26 =	sshrl.u32 s16, $0x3;
	s12 =	simm.s32 $0x6;
	[dreg:$0x6] =	wrdreg s14  }
0x12: {  	s15 =	sshrl.u32 s13, $0x2;
	s17 =	sshll.u32 s13, $0x4;
	s13 =	smul.u32 $0x13800, s18  }
0x13: {  	s7 =	simm.s32 $0x50;
	s14 =	smul.u32 $0x9C, s18;
	[dreg:$0xd] =	wrdreg s24  }
0x14: {  	s6 =	sadd.s32 s0, s6;
	s24 =	simm.s32 $0x17A00;
	[dreg:$0xe] =	wrdreg s26  }
0x15: {  	s26 =	simm.s32 $0x1FA00;
	s9 =	sadd.s32 s15, s11;
	[dreg:$0xb] =	wrdreg s6  }
0x16: {  	s7 =	simm.s32 @!p0 $0x4E;
	[dreg:$0x7] =	wrdreg s9;
	s9 =	sadd.s32 s0, s17  }
0x17: {  	s22 =	sadd.s32 s13, s19;
	s5 =	sadd.s32 s5, s14;
	s13 =	simm.s32 $0x0  }
0x18: {  	[dreg:$0x8] =	wrdreg s9;
	s9 =	sadd.s32 s10, s2;
	s10 =	sadd.s32 s4, s20  }
0x19: {  	s23 =	sshll.u32 s5, $0xB;
	s25 =	sshll.u32 s5, $0x5;
	s10 =	sadd.s32 $0x24900, s10  }
0x1a: {  	s0 =	sadd.s32 s23, s0;
	s5 =	sadd.s32 s11, s25;
	s1 =	sadd.s32 s25, s1  }
0x1b: {  	s23 =	simm.s32 $0x13900;
	s25 =	simm.s32 $0x3;
	[dreg:$0x9] =	wrdreg s10  }
0x1c: {  	s10 =	sadd.s32 s21, s11;
	s15 =	sadd.s32 $0x2000, s0;
	s8 =	sadd.s32 $0x80, s5  }
.Ltmp0:
0x1d: {  	s17 =	sadd.s32 $0x1800, s0;
	s6 =	sadd.s32 $0x70, s1;
	(pc) =	sbr.rel .LBB2_1-.Ltmp0, $4  }
0x1e: {  	s19 =	sadd.s32 $0x1000, s0;
	s5 =	sadd.s32 $0x40, s5;
	s21 =	simm.s32 $0x13880  }
0x1f: {  	s0 =	simm.s32 $0x1BA00;
	[dreg:$0xa] =	wrdreg s10;
	s10 =	sshrl.u32 s22, $0x3  }
0x20: {  	s1 =	simm.s32 $0x4;
	s11 =	simm.s32 $0x5;
	s4 =	sadd.s32 s4, s10  }
0x21: {  	v0 =	vimm.f32 $0.0e+00;
	s22 =	simm.s32 $0x13A00;
	s10 =	simm.s32 $0x2;
	[dreg:$0xc] =	wrdreg s4  }
.LBB2_7:
0x22: {  	s4 =	rddreg [dreg:$0xa]  }
0x23: {  	[tilespmem:s21], [sflag:$0x7] =	stream.linear.gather [hbm4b:s4+s3], $0x80, $0x38;
	[tilespmem:$0x1FE00] =	vst v63  }
0x24: {  	_ =	swait.ge [sflag:s28], $0x80  }
0x25: {  	[sflag:s28] =	ssyncset.done $0x0  }
0x26: {  	s20 =	rddreg [dreg:$0xb];
	[sflag:s28] =	ssyncadd.s32 $0xFFFFFF80  }
0x27: {  	[tilespmem:s22], [sflag:$0x7] =	stream.linear.gather [hbm4b:s20+s3], $0x4000, $0x38;
	[tilespmem:$0x1FE00] =	vst v63  }
0x28: {  	_ =	swait.ge [sflag:s28], $0x4000  }
0x29: {  	[sflag:s28] =	ssyncset.done $0x0  }
0x2a: {  	[sflag:s28] =	ssyncadd.s32 $0xFFFFC000  }
0x2b: {  	[spmem:s2] =	stream.indirect.scatter.add.f32 [tilespmem:s22], [sflag:$0x7], $0x80, s21, s30, $0xb8;
	[tilespmem:$0x1FE00] =	vst v63  }
0x2c: {  	_ =	swait.ge [sflag:s28], $0x4000  }
0x2d: {  	[sflag:s28] =	ssyncset.done $0x0  }
0x2e: {  	[sflag:s28] =	ssyncadd.s32 $0xFFFFC000  }
0x2f: {  	[bflag:$0x0] =	sbarrier.arrive $0xFFFF  }
.LBB2_9:
0x30: {  	s4 =	stileid.u32  }
0x31: {  	s4 =	sshll.u32 s4, $0x6  }
0x32: {  	s14 =	sshrl.u32 s9, $0x3;
	s16 =	rddreg [dreg:$0xc];
	s4 =	sor.u32 $0x1C07, s4  }
0x33: {  	[hbm:s16], [sflag:s4] =	dma.local [spmem:s14], $0x2700  }
0x34: {  	_ =	swait.ge [sflag:s28], $0x2700  }
0x35: {  	[sflag:s28] =	ssyncset.done $0x0  }
0x36: {  	[sflag:s28] =	ssyncadd.s32 $0xFFFFD900  }
.LBB2_11:
0x37: {  	s13 =	sadd.s32 $0x1, s13;
	s4 =	rddreg [dreg:$0xd]  }
0x38: {  	p2 =	sne.s32 s13, s4  }
.Ltmp1:
0x39: {  	_ = 	snop;
	(pc) =	sbr.rel @!p2 .LBB2_12-.Ltmp1, $1  }
0x3a: {  	_ =	sdelay $0x3  }
.LBB2_1:
0x3b: {  	s4 =	rddreg [dreg:$0x5]  }
0x3c: {  	[tilespmem:s21], [sflag:$0x1] =	stream.linear.gather [hbm4b:s4+s3], $0x80, $0x38;
	[tilespmem:$0x1FE00] =	vst v63  }
0x3d: {  	s16 =	rddreg [dreg:$0x6]  }
0x3e: {  	[tilespmem:s22], [sflag:$0x1] =	stream.linear.gather [hbm4b:s16+s3], $0x4000, $0x38;
	[tilespmem:$0x1FE00] =	vst v63  }
0x3f: {  	s18 =	rddreg [dreg:$0x7]  }
0x40: {  	[tilespmem:s23], [sflag:$0x2] =	stream.linear.gather [hbm4b:s18+s3], $0x80, $0x38;
	[tilespmem:$0x1FE00] =	vst v63  }
0x41: {  	s20 =	rddreg [dreg:$0x8]  }
0x42: {  	[tilespmem:s24], [sflag:$0x2] =	stream.linear.gather [hbm4b:s20+s3], $0x4000, $0x38;
	[tilespmem:$0x1FE00] =	vst v63  }
0x43: {  	[tilespmem:$0x1FA00] =	vst v0  }
0x44: {  	[tilespmem:$0x1FA10] =	vst v0  }
0x45: {  	[tilespmem:$0x1FA20] =	vst v0  }
0x46: {  	[tilespmem:$0x1FA30] =	vst v0  }
0x47: {  	[tilespmem:$0x1FA40] =	vst v0  }
0x48: {  	[tilespmem:$0x1FA50] =	vst v0  }
0x49: {  	[tilespmem:$0x1FA60] =	vst v0  }
0x4a: {  	[tilespmem:$0x1FA70] =	vst v0  }
0x4b: {  	[tilespmem:$0x1FA80] =	vst v0  }
0x4c: {  	[tilespmem:$0x1FA90] =	vst v0  }
0x4d: {  	[tilespmem:$0x1FAA0] =	vst v0  }
0x4e: {  	[tilespmem:$0x1FAB0] =	vst v0  }
0x4f: {  	[tilespmem:$0x1FAC0] =	vst v0  }
0x50: {  	[tilespmem:$0x1FAD0] =	vst v0  }
0x51: {  	[tilespmem:$0x1FAE0] =	vst v0  }
0x52: {  	[tilespmem:$0x1FAF0] =	vst v0  }
0x53: {  	[tilespmem:$0x1FB00] =	vst v0  }
0x54: {  	[tilespmem:$0x1FB10] =	vst v0  }
0x55: {  	[tilespmem:$0x1FB20] =	vst v0  }
0x56: {  	[tilespmem:$0x1FB30] =	vst v0  }
0x57: {  	[tilespmem:$0x1FB40] =	vst v0  }
0x58: {  	[tilespmem:$0x1FB50] =	vst v0  }
0x59: {  	[tilespmem:$0x1FB60] =	vst v0  }
0x5a: {  	[tilespmem:$0x1FB70] =	vst v0  }
0x5b: {  	[tilespmem:$0x1FB80] =	vst v0  }
0x5c: {  	[tilespmem:$0x1FB90] =	vst v0  }
0x5d: {  	[tilespmem:$0x1FBA0] =	vst v0  }
0x5e: {  	[tilespmem:$0x1FBB0] =	vst v0  }
0x5f: {  	[tilespmem:$0x1FBC0] =	vst v0  }
0x60: {  	[tilespmem:$0x1FBD0] =	vst v0  }
0x61: {  	[tilespmem:$0x1FBE0] =	vst v0  }
0x62: {  	[tilespmem:$0x1FBF0] =	vst v0  }
0x63: {  	[tilespmem:$0x1FC00] =	vst v0  }
0x64: {  	[tilespmem:$0x1FC10] =	vst v0  }
0x65: {  	[tilespmem:$0x1FC20] =	vst v0  }
0x66: {  	[tilespmem:$0x1FC30] =	vst v0  }
0x67: {  	[tilespmem:$0x1FC40] =	vst v0  }
0x68: {  	[tilespmem:$0x1FC50] =	vst v0  }
0x69: {  	[tilespmem:$0x1FC60] =	vst v0  }
0x6a: {  	[tilespmem:$0x1FC70] =	vst v0  }
0x6b: {  	[tilespmem:$0x1FC80] =	vst v0  }
0x6c: {  	[tilespmem:$0x1FC90] =	vst v0  }
0x6d: {  	[tilespmem:$0x1FCA0] =	vst v0  }
0x6e: {  	[tilespmem:$0x1FCB0] =	vst v0  }
0x6f: {  	[tilespmem:$0x1FCC0] =	vst v0  }
0x70: {  	[tilespmem:$0x1FCD0] =	vst v0  }
0x71: {  	[tilespmem:$0x1FCE0] =	vst v0  }
0x72: {  	[tilespmem:$0x1FCF0] =	vst v0  }
0x73: {  	[tilespmem:$0x1FD00] =	vst v0  }
0x74: {  	[tilespmem:$0x1FD10] =	vst v0  }
0x75: {  	[tilespmem:$0x1FD20] =	vst v0  }
0x76: {  	[tilespmem:$0x1FD30] =	vst v0  }
0x77: {  	[tilespmem:$0x1FD40] =	vst v0  }
0x78: {  	[tilespmem:$0x1FD50] =	vst v0  }
0x79: {  	[tilespmem:$0x1FD60] =	vst v0  }
0x7a: {  	[tilespmem:$0x1FD70] =	vst v0  }
0x7b: {  	[tilespmem:$0x1FD80] =	vst v0  }
0x7c: {  	[tilespmem:$0x1FD90] =	vst v0  }
0x7d: {  	[tilespmem:$0x1FDA0] =	vst v0  }
0x7e: {  	[tilespmem:$0x1FDB0] =	vst v0  }
0x7f: {  	[tilespmem:$0x1FDC0] =	vst v0  }
0x80: {  	p2 =	sne.s32 s7, $0x1;
	[tilespmem:$0x1FDD0] =	vst v0  }
.Ltmp2:
0x81: {  	[tilespmem:$0x1FDE0] =	vst v0;
	(pc) =	sbr.rel @!p2 .LBB2_3-.Ltmp2, $4  }
0x82: {  	[tilespmem:$0x1FDF0] =	vst v0  }
0x83: {  	[spmem:s9] =	stream.linear.scatter [tilespmem:s26], [sflag:$0x7], $0x400, $0x38;
	[tilespmem:$0x1FE00] =	vst v63  }
0x84: {  	_ =	swait.ge [sflag:s28], $0x400  }
0x85: {  	s4 =	sadd.s32 $0xFFFFFFFF, s7;
	s16 =	smov.u32 s9;
	[sflag:s28] =	ssyncset.done $0x0  }
.LBB2_2:
0x86: {  	p2 =	sne.s32 s4, $0x1;
	[sflag:s28] =	ssyncadd.s32 $0xFFFFFC00;
	s16 =	sadd.s32 $0x400, s16  }
.Ltmp3:
0x87: {  	s4 =	sadd.s32 $0xFFFFFFFF, s4;
	(pc) =	sbr.rel @p2 .LBB2_2-.Ltmp3, $4  }
0x88: {  	_ = 	snop  }
0x89: {  	[spmem:s16] =	stream.linear.scatter [tilespmem:s26], [sflag:$0x7], $0x400, $0x38;
	[tilespmem:$0x1FE00] =	vst v63  }
0x8a: {  	_ =	swait.ge [sflag:s28], $0x400  }
0x8b: {  	[sflag:s28] =	ssyncset.done $0x0  }
.LBB2_3:
0x8c: {  	[sflag:s28] =	ssyncadd.s32 $0xFFFFFC00;
	s4 =	simm.s32 $0x0;
	s20 =	smov.u32 s5  }
0x8d: {  	s18 =	smov.u32 s6;
	s16 =	smov.u32 s8;
	[bflag:$0x0] =	sbarrier.arrive $0xFFFF  }
.LBB2_4:
0x8e: {  	_ =	swait.ge [sflag:s29], $0x80  }
0x8f: {  	[sflag:s29] =	ssyncset.done $0x0  }
0x90: {  	[sflag:s29] =	ssyncadd.s32 $0xFFFFFF80  }
0x91: {  	_ =	swait.ge [sflag:s29], $0x4000  }
0x92: {  	p2 =	seq.s32 s4, $0x0;
	[sflag:s29] =	ssyncset.done $0x0  }
0x93: {  	s14 =	simm.s32 @!p2 $0x6;
	[sflag:s29] =	ssyncadd.s32 $0xFFFFC000  }
0x94: {  	[spmem:s2] =	stream.indirect.scatter.add.f32 [tilespmem:s22], [sflag:$0x4], $0x80, s21, s30, $0xb8;
	[tilespmem:$0x1FE00] =	vst v63  }
0x95: {  	_ =	swait.ge @!p2 [sflag:s14], $0x4000  }
0x96: {  	[sflag:s14] =	ssyncset.done @!p2 $0x0  }
0x97: {  	[sflag:s14] =	ssyncadd.s32 @!p2 $0xFFFFC000  }
0x98: {  	[tilespmem:s31], [sflag:$0x3] =	stream.linear.gather [hbm4b:s20+s3], $0x80, $0x38;
	[tilespmem:$0x1FE00] =	vst v63  }
0x99: {  	s14 =	sadd.s32 s4, s19  }
0x9a: {  	[tilespmem:s0], [sflag:$0x3] =	stream.linear.gather [hbm4b:s14+s3], $0x4000, $0x38;
	[tilespmem:$0x1FE00] =	vst v63  }
0x9b: {  	_ =	swait.ge [sflag:s10], $0x80  }
0x9c: {  	p2 =	seq.s32 s4, $0x25800;
	[sflag:s10] =	ssyncset.done $0x0  }
.Ltmp4:
0x9d: {  	[sflag:s10] =	ssyncadd.s32 $0xFFFFFF80;
	(pc) =	sbr.rel @p2 .LBB2_6-.Ltmp4, $4  }
0x9e: {  	_ =	swait.ge [sflag:s10], $0x4000  }
0x9f: {  	[sflag:s10] =	ssyncset.done $0x0  }
0xa0: {  	[sflag:s10] =	ssyncadd.s32 $0xFFFFC000  }
0xa1: {  	[spmem:s2] =	stream.indirect.scatter.add.f32 [tilespmem:s24], [sflag:$0x5], $0x80, s23, s30, $0xb8;
	[tilespmem:$0x1FE00] =	vst v63  }
0xa2: {  	_ =	swait.ge [sflag:s1], $0x4000  }
0xa3: {  	[sflag:s1] =	ssyncset.done $0x0  }
0xa4: {  	[sflag:s1] =	ssyncadd.s32 $0xFFFFC000  }
0xa5: {  	[tilespmem:s21], [sflag:$0x1] =	stream.linear.gather [hbm4b:s18+s3], $0x80, $0x38;
	[tilespmem:$0x1FE00] =	vst v63  }
0xa6: {  	s14 =	sadd.s32 s4, s17  }
0xa7: {  	[tilespmem:s22], [sflag:$0x1] =	stream.linear.gather [hbm4b:s14+s3], $0x4000, $0x38;
	[tilespmem:$0x1FE00] =	vst v63  }
0xa8: {  	_ =	swait.ge [sflag:s25], $0x80  }
0xa9: {  	[sflag:s25] =	ssyncset.done $0x0  }
0xaa: {  	[sflag:s25] =	ssyncadd.s32 $0xFFFFFF80  }
0xab: {  	_ =	swait.ge [sflag:s25], $0x4000  }
0xac: {  	[sflag:s25] =	ssyncset.done $0x0  }
0xad: {  	[sflag:s25] =	ssyncadd.s32 $0xFFFFC000  }
0xae: {  	[spmem:s2] =	stream.indirect.scatter.add.f32 [tilespmem:s0], [sflag:$0x6], $0x80, s31, s30, $0xb8;
	[tilespmem:$0x1FE00] =	vst v63  }
0xaf: {  	_ =	swait.ge [sflag:s11], $0x4000  }
.Ltmp5:
0xb0: {  	[sflag:s11] =	ssyncset.done $0x0;
	(pc) =	sbr.rel .LBB2_4-.Ltmp5, $4  }
0xb1: {  	s20 =	sadd.s32 $0x60, s20;
	s18 =	sadd.s32 $0x60, s18;
	[sflag:s11] =	ssyncadd.s32 $0xFFFFC000  }
0xb2: {  	[tilespmem:s23], [sflag:$0x2] =	stream.linear.gather [hbm4b:s16+s3], $0x80, $0x38;
	[tilespmem:$0x1FE00] =	vst v63  }
0xb3: {  	s14 =	sadd.s32 s4, s15;
	s4 =	sadd.s32 $0x1800, s4;
	s16 =	sadd.s32 $0x60, s16  }
0xb4: {  	[tilespmem:s24], [sflag:$0x2] =	stream.linear.gather [hbm4b:s14+s3], $0x4000, $0x38;
	[tilespmem:$0x1FE00] =	vst v63  }
.LBB2_6:
0xb5: {  	_ =	swait.ge [sflag:s25], $0x80  }
0xb6: {  	[sflag:s25] =	ssyncset.done $0x0  }
0xb7: {  	[sflag:s25] =	ssyncadd.s32 $0xFFFFFF80  }
0xb8: {  	_ =	swait.ge [sflag:s25], $0x4000  }
0xb9: {  	[sflag:s25] =	ssyncset.done $0x0  }
0xba: {  	[sflag:s25] =	ssyncadd.s32 $0xFFFFC000  }
0xbb: {  	[spmem:s2] =	stream.indirect.scatter.add.f32 [tilespmem:s0], [sflag:$0x6], $0x80, s31, s30, $0xb8;
	[tilespmem:$0x1FE00] =	vst v63  }
0xbc: {  	_ =	swait.ge [sflag:s1], $0x4000  }
0xbd: {  	[sflag:s1] =	ssyncset.done $0x0  }
0xbe: {  	[sflag:s1] =	ssyncadd.s32 $0xFFFFC000  }
0xbf: {  	_ =	swait.ge [sflag:s11], $0x4000  }
.Ltmp6:
0xc0: {  	[sflag:s11] =	ssyncset.done $0x0;
	(pc) =	sbr.rel @!p1 .LBB2_7-.Ltmp6, $4  }
0xc1: {  	[sflag:s11] =	ssyncadd.s32 $0xFFFFC000  }
0xc2: {  	_ =	swait.ge [sflag:s12], $0x4000  }
0xc3: {  	[sflag:s12] =	ssyncset.done $0x0  }
0xc4: {  	[sflag:s12] =	ssyncadd.s32 $0xFFFFC000  }
.Ltmp7:
0xc5: {  	(pc) =	sbr.rel @!p0 .LBB2_9-.Ltmp7, $2  }
0xc6: {  	_ =	sdelay $0x1  }
0xc7: {  	[bflag:$0x0] =	sbarrier.arrive $0xFFFF;
	_ =	sdelay $0x1  }
0xc8: {  	s4 =	rddreg [dreg:$0x9]  }
.Ltmp8:
0xc9: {  	s14 =	rddreg [dreg:$0xe];
	s16 =	simm.s32 $0x1FC7;
	(pc) =	sbr.rel .LBB2_11-.Ltmp8, $4  }
0xca: {  	[hbm:s4], [sflag:s16] =	dma.local [spmem:s14], $0x2800  }
0xcb: {  	_ =	swait.ge [sflag:s28], $0x2800  }
0xcc: {  	[sflag:s28] =	ssyncset.done $0x0  }
0xcd: {  	[sflag:s28] =	ssyncadd.s32 $0xFFFFD800  }
.LBB2_12:
0xce: {  	_ =	sfence.sel $0x180000  }
0xcf: {  	[bflag:$0x0] =	sbarrier.arrive $0xFFFF  }
0xd0: {  	_ =	strace $0x90000047  }
0xd1: {  	s0 =	stileid.u32;
	[bflag:$0x2] =	sbarrier.arrive $0xFFFF  }
0xd2: {  	p0 =	sne.s32 s0, $0x0;
	s0 =	rddreg [dreg:$0x4]  }
0xd3: {  	s0 =	sadd.s32 @!p0 $0x100000, s0  }
0xd4: {  	[sflag:s0] =	ssyncadd.tile.s32 @!p0 $0x1;
	_ =	shalt  }
.Lfunc_end2:
_tile_overlayer_lowered:
.L_overlay_start_2:
0xd5: {  	(tag) =	ssettag $0x2  }
0xd6: {  	s0 =	rddreg [dreg:$0x0];
	s2 =	stileid.u32  }
0xd7: {  	s1 =	rddreg [dreg:$0x1];
	p0 =	sne.s32 s2, $0x0  }
0xd8: {  	s3 =	rddreg [dreg:$0x2];
	[bflag:$0x3] =	sbarrier.arrive $0xFFFF;
	s2 =	simm.s32 @!p0 $0x1C07  }
0xd9: {  	[timem:s3], [sflag:s2] =	dma.local @!p0 [hbm:s0], s1  }
0xda: {  	s0 =	simm.s32 @!p0 $0x7  }
0xdb: {  	_ =	swait.ge @!p0 [sflag:s0], s1  }
0xdc: {  	s1 =	ssub.s32 @!p0 $0x0, s1;
	[sflag:s0] =	ssyncset.done @!p0 $0x0  }
0xdd: {  	[sflag:s0] =	ssyncadd.s32 @!p0 s1  }
0xde: {  	[bflag:$0x3] =	sbarrier.arrive $0xFFFF  }
0xdf: {  	_ =	shalt  }

</sc_bundles>
